<compile_context>
chip_gen: v7x
topology: tpu7x:2x2x1
jax: 0.10.2.dev20260603
libtpu: 0.0.44.dev20260713+nightly
codegen_flags: <defaults>
</compile_context>

<pallas_src>
import functools

import jax
import jax.numpy as jnp
from jax import lax
from jax.experimental import pallas as pl
from jax.experimental.pallas import tpu as pltpu
from jax.experimental.pallas import tpu_sc as plsc

N = 10000
E = 320000
D = 128
H = 256

NC = 2
NS = 16
NW = NC * NS
CHUNK = 72
PAIR_CHUNKS = 280
K0 = 120
K1 = PAIR_CHUNKS - K0
TOTAL_CHUNKS = NS * PAIR_CHUNKS
E_PER_PAIR = CHUNK * PAIR_CHUNKS
E_PAD = E_PER_PAIR * NS
ROWS_MAIN = 624
ROWS_LAST = N - 15 * ROWS_MAIN
X_PAD_ROWS = 8
EPS = 1e-5


def _sc_partial_segment_sum(x_p, src_w, dst_w, zeros):
    mesh = plsc.VectorSubcoreMesh(core_axis_name="c", subcore_axis_name="s")

    @functools.partial(
        pl.kernel,
        out_type=jax.ShapeDtypeStruct((NC * N, D), jnp.float32),
        mesh=mesh,
        scratch_types=[
            pltpu.VMEM((K1 * CHUNK,), jnp.int32),
            pltpu.VMEM((K1, CHUNK), jnp.int32),
            pltpu.VMEM((2, CHUNK, D), jnp.float32),
            pltpu.VMEM_SHARED((N, D), jnp.float32),
            pltpu.SemaphoreType.DMA,
            pltpu.SemaphoreType.DMA,
        ],
    )
    def sc_kernel(x_hbm, src_hbm, dst_hbm, z_hbm, out_hbm,
                  src_v, dst_v, rows_v, acc, sem0, sem1):
        c = lax.axis_index("c")
        s = lax.axis_index("s")
        r0 = s * ROWS_MAIN
        base_chunk = s * PAIR_CHUNKS + c * K0
        nchunks = jnp.where(c == 0, K0, K1)
        @pl.when(s < NS - 1)
        def _():
            pltpu.sync_copy(z_hbm.at[pl.ds(r0, ROWS_MAIN)],
                            acc.at[pl.ds(r0, ROWS_MAIN)])

        @pl.when(s == NS - 1)
        def _():
            pltpu.sync_copy(z_hbm.at[pl.ds(15 * ROWS_MAIN, ROWS_LAST)],
                            acc.at[pl.ds(15 * ROWS_MAIN, ROWS_LAST)])

        @pl.when(c == 0)
        def _():
            pltpu.sync_copy(src_hbm.at[pl.ds(base_chunk * CHUNK, K0 * CHUNK)],
                            src_v.at[pl.ds(0, K0 * CHUNK)])
            pltpu.sync_copy(dst_hbm.at[pl.ds(base_chunk, K0)],
                            dst_v.at[pl.ds(0, K0)])

        @pl.when(c == 1)
        def _():
            pltpu.sync_copy(src_hbm.at[pl.ds(base_chunk * CHUNK, K1 * CHUNK)],
                            src_v)
            pltpu.sync_copy(dst_hbm.at[pl.ds(base_chunk, K1)], dst_v)
        plsc.subcore_barrier()

        sems = (sem0, sem1)

        def start_gather(j, b):
            pltpu.async_copy(x_hbm.at[src_v.at[pl.ds(j * CHUNK, CHUNK)]],
                             rows_v.at[b], sems[b])

        for b in range(2):
            start_gather(b, b)

        def body(i, carry):
            for b in range(2):
                j = 2 * i + b
                pltpu.make_async_copy(
                    x_hbm.at[src_v.at[pl.ds(j * CHUNK, CHUNK)]],
                    rows_v.at[b], sems[b]).wait()
                pltpu.sync_copy(rows_v.at[b], acc.at[dst_v.at[j]], add=True)
                nxt = j + 2

                @pl.when(nxt < nchunks)
                def _():
                    start_gather(nxt, b)
            return carry

        lax.fori_loop(0, nchunks // 2, body, 0)
        plsc.subcore_barrier()

        @pl.when(s < NS - 1)
        def _():
            pltpu.sync_copy(acc.at[pl.ds(r0, ROWS_MAIN)],
                            out_hbm.at[pl.ds(c * N + r0, ROWS_MAIN)])

        @pl.when(s == NS - 1)
        def _():
            pltpu.sync_copy(acc.at[pl.ds(15 * ROWS_MAIN, ROWS_LAST)],
                            out_hbm.at[pl.ds(c * N + 15 * ROWS_MAIN, ROWS_LAST)])

    return sc_kernel(x_p, src_w, dst_w, zeros)


def _tc_dense(x, parts, W_root, W_nbr, b_base, gamma1, beta1,
              W1, b1, W2, b2, gamma2, beta2):
    def body(x_ref, parts_ref, wr_ref, wn_ref, bb_ref, g1_ref, be1_ref,
             w1_ref, b1_ref, w2_ref, b2_ref, g2_ref, be2_ref, o_ref):
        xv = x_ref[...]
        agg = parts_ref[0:N, :] + parts_ref[N:2 * N, :]
        h = jnp.dot(xv, wr_ref[...], preferred_element_type=jnp.float32)
        h = h + jnp.dot(agg, wn_ref[...], preferred_element_type=jnp.float32)
        h = h + bb_ref[...]
        mu = jnp.mean(h, axis=0, keepdims=True)
        hc = h - mu
        var = jnp.mean(hc * hc, axis=0, keepdims=True)
        h = hc * lax.rsqrt(var + EPS) * g1_ref[...] + be1_ref[...]
        h = jnp.maximum(h, 0.0) + xv
        t = jnp.maximum(
            jnp.dot(h, w1_ref[...], preferred_element_type=jnp.float32)
            + b1_ref[...], 0.0)
        y = (jnp.dot(t, w2_ref[...], preferred_element_type=jnp.float32)
             + b2_ref[...] + h)
        mu2 = jnp.mean(y, axis=0, keepdims=True)
        yc = y - mu2
        var2 = jnp.mean(yc * yc, axis=0, keepdims=True)
        o_ref[...] = yc * lax.rsqrt(var2 + EPS) * g2_ref[...] + be2_ref[...]

    return pl.pallas_call(
        body,
        out_shape=jax.ShapeDtypeStruct((N, D), jnp.float32),
    )(x, parts, W_root, W_nbr,
      b_base.reshape(1, D), gamma1.reshape(1, D), beta1.reshape(1, D),
      W1, b1.reshape(1, H), W2, b2.reshape(1, D),
      gamma2.reshape(1, D), beta2.reshape(1, D))


def kernel(x, edge_index, W_root, W_nbr, b_base, gamma1, beta1,
           W1, b1, W2, b2, gamma2, beta2):
    src = edge_index[0]
    dst = edge_index[1]
    pad = E_PAD - E
    src_w = jnp.concatenate([src, jnp.full((pad,), N, jnp.int32)])
    dst_w = jnp.concatenate(
        [dst, jnp.zeros((pad,), jnp.int32)]).reshape(TOTAL_CHUNKS, CHUNK)
    x_p = jnp.concatenate([x, jnp.zeros((X_PAD_ROWS, D), jnp.float32)])
    zeros = jnp.zeros((N, D), jnp.float32)
    parts = _sc_partial_segment_sum(x_p, src_w, dst_w, zeros)
    return _tc_dense(x, parts, W_root, W_nbr, b_base, gamma1, beta1,
                     W1, b1, W2, b2, gamma2, beta2)

# --- scband reference (transcript-rebuilt; emitter-appended) ---
"""Pipeline reference for scband-gnnplus-layer-28372553957731 (READ-ONLY COPY).

The authoritative reference and input builder live on the scoring server;
editing this copy changes nothing except your own understanding.
"""

import jax, jax.numpy as jnp
import numpy as np

N = 10000
E = 320000
D = 128
H = 256  # D * hidden_channels_ffn_mult


def setup_inputs(seed: int = 0):
    key = jax.random.key(seed)
    ks = jax.random.split(key, 12)
    x = jax.random.normal(ks[0], (N, D), dtype=jnp.float32)
    edge_index = jax.random.randint(ks[1], (2, E), 0, N, dtype=jnp.int32)
    s_d = 1.0 / np.sqrt(D)
    s_h = 1.0 / np.sqrt(H)
    W_root = jax.random.normal(ks[2], (D, D), dtype=jnp.float32) * s_d
    W_nbr = jax.random.normal(ks[3], (D, D), dtype=jnp.float32) * s_d
    b_base = jnp.zeros((D,), dtype=jnp.float32)
    gamma1 = jnp.ones((D,), dtype=jnp.float32)
    beta1 = jnp.zeros((D,), dtype=jnp.float32)
    W1 = jax.random.normal(ks[4], (D, H), dtype=jnp.float32) * s_d
    b1 = jnp.zeros((H,), dtype=jnp.float32)
    W2 = jax.random.normal(ks[5], (H, D), dtype=jnp.float32) * s_h
    b2 = jnp.zeros((D,), dtype=jnp.float32)
    gamma2 = jnp.ones((D,), dtype=jnp.float32)
    beta2 = jnp.zeros((D,), dtype=jnp.float32)
    return {"x": x, "edge_index": edge_index, "W_root": W_root, "W_nbr": W_nbr,
            "b_base": b_base, "gamma1": gamma1, "beta1": beta1,
            "W1": W1, "b1": b1, "W2": W2, "b2": b2,
            "gamma2": gamma2, "beta2": beta2}


def _batchnorm(h, gamma, beta, eps=1e-5):
    mu = jnp.mean(h, axis=0)
    var = jnp.var(h, axis=0)
    return (h - mu) / jnp.sqrt(var + eps) * gamma + beta


def reference(x, edge_index, W_root, W_nbr, b_base, gamma1, beta1,
              W1, b1, W2, b2, gamma2, beta2):
    # base_gnn_layer: GraphConv(add aggregation): x@W_root + scatter_add(x[src]@W_nbr -> dst) + b
    src = edge_index[0]
    dst = edge_index[1]
    msg = jnp.take(x, src, axis=0) @ W_nbr
    agg = jax.ops.segment_sum(msg, dst, num_segments=x.shape[0])
    h = x @ W_root + agg + b_base
    # use_bn
    h = _batchnorm(h, gamma1, beta1)
    h = jax.nn.relu(h)
    # dropout is identity in eval
    # residual (in == out -> Identity)
    h = h + x
    # FFN (note: first lin1/lin2 branch on h in the torch code is dead code; only h_res path is used)
    h_res = h
    y = jax.nn.relu(h_res @ W1 + b1) @ W2 + b2
    y = y + h_res
    y = _batchnorm(y, gamma2, beta2)
    return y

if __name__ == "__main__":
    import jax
    _d = setup_inputs()
    print(jax.jit(kernel)(*tuple(_d.values())))

</pallas_src>

<mosaic_0001>
#map = affine_map<(d0, d1) -> (0, 0)>
#map1 = affine_map<(d0, d1) -> (0)>
module attributes {stable_mosaic.version = 14 : i64} {
  func.func @sc_kernel(%arg0: i32, %arg1: i32, %arg2: memref<10008x128xf32, #tpu.memory_space<hbm>>, %arg3: memref<322560xi32, #tpu.memory_space<hbm>>, %arg4: memref<4480x72xi32, #tpu.memory_space<hbm>>, %arg5: memref<10000x128xf32, #tpu.memory_space<hbm>>, %arg6: memref<20000x128xf32, #tpu.memory_space<hbm>>, %arg7: memref<11520xi32, #tpu.memory_space<vmem>>, %arg8: memref<160x72xi32, #tpu.memory_space<vmem>>, %arg9: memref<2x72x128xf32, #tpu.memory_space<vmem>>, %arg10: memref<10000x128xf32, #tpu.memory_space<vmem_shared>>, %arg11: memref<!tpu.dma_semaphore, #tpu.memory_space<semaphore_mem>>, %arg12: memref<!tpu.dma_semaphore, #tpu.memory_space<semaphore_mem>>) attributes {dimension_semantics = [#tpu.dimension_semantics<core_parallel>, #tpu.dimension_semantics<subcore_parallel>], iteration_bounds = array<i64: 2, 16>, scalar_prefetch = 0 : i64, scratch_operands = 6 : i64, tpu.core_type = #tpu.core_type<sc_vector_subcore>, window_params = [{transform_indices = #map}, {transform_indices = #map1}, {transform_indices = #map}, {transform_indices = #map}, {transform_indices = #map}]} {
    %mul3A = arith.constant 624 : i32
    %mul3A_0 = arith.muli %arg1, %mul3A : i32
    %mul3A_1 = arith.constant 280 : i32
    %mul3A_2 = arith.muli %arg1, %mul3A_1 : i32
    %mul3A_3 = arith.constant 120 : i32
    %mul3A_4 = arith.muli %arg0, %mul3A_3 : i32
    %add3A = arith.addi %mul3A_2, %mul3A_4 : i32
    %eq3A = arith.constant 0 : i32
    %eq3A_5 = arith.cmpi eq, %arg0, %eq3A : i32
    %jit3A = arith.constant 120 : i32
    %jit3A_6 = arith.constant 160 : i32
    %select_n3A = arith.select %eq3A_5, %jit3A, %jit3A_6 : i32
    %lt3A = arith.constant 15 : i32
    %lt3A_7 = arith.cmpi slt, %arg1, %lt3A : i32
    %convert_element_type3A = arith.extui %lt3A_7 : i1 to i32
    %cond3A = arith.constant 0 : i32
    %cond3A_8 = arith.cmpi ne, %convert_element_type3A, %cond3A : i32
    scf.if %cond3A_8 {
      "tpu.region"() ({
        %run_scoped3A = tpu.sem_alloc : memref<!tpu.dma_semaphore, #tpu.memory_space<semaphore_mem>>
        %dma_start3A_81 = arith.constant 0 : i32
        %dma_start3A_82 = tpu.memref_slice %arg10[%mul3A_0, %dma_start3A_81] : memref<10000x128xf32, #tpu.memory_space<vmem_shared>> -> memref<624x128xf32, #tpu.memory_space<vmem_shared>>
        %dma_start3A_83 = arith.constant 0 : i32
        %dma_start3A_84 = tpu.memref_slice %arg5[%mul3A_0, %dma_start3A_83] : memref<10000x128xf32, #tpu.memory_space<hbm>> -> memref<624x128xf32, #tpu.memory_space<hbm>>
        tpu.enqueue_dma source(%dma_start3A_84 : memref<624x128xf32, #tpu.memory_space<hbm>>) target(%dma_start3A_82 : memref<624x128xf32, #tpu.memory_space<vmem_shared>>) target_semaphore(%run_scoped3A : memref<!tpu.dma_semaphore, #tpu.memory_space<semaphore_mem>>)
        %dma_wait3A = arith.constant 0 : i32
        %dma_wait3A_85 = tpu.memref_slice %arg10[%mul3A_0, %dma_wait3A] : memref<10000x128xf32, #tpu.memory_space<vmem_shared>> -> memref<624x128xf32, #tpu.memory_space<vmem_shared>>
        %dma_wait3A_86 = arith.constant 0 : i32
        %dma_wait3A_87 = tpu.memref_slice %arg5[%mul3A_0, %dma_wait3A_86] : memref<10000x128xf32, #tpu.memory_space<hbm>> -> memref<624x128xf32, #tpu.memory_space<hbm>>
        tpu.wait_dma2 semaphore(%run_scoped3A : memref<!tpu.dma_semaphore, #tpu.memory_space<semaphore_mem>>) src(%dma_wait3A_87 : memref<624x128xf32, #tpu.memory_space<hbm>>) dst(%dma_wait3A_85 : memref<624x128xf32, #tpu.memory_space<vmem_shared>>)
        tpu.yield
      }) : () -> ()
    } else {
    }
    %eq3A_9 = arith.constant 15 : i32
    %eq3A_10 = arith.cmpi eq, %arg1, %eq3A_9 : i32
    %convert_element_type3A_11 = arith.extui %eq3A_10 : i1 to i32
    %cond3A_12 = arith.constant 0 : i32
    %cond3A_13 = arith.cmpi ne, %convert_element_type3A_11, %cond3A_12 : i32
    scf.if %cond3A_13 {
      "tpu.region"() ({
        %run_scoped3A = tpu.sem_alloc : memref<!tpu.dma_semaphore, #tpu.memory_space<semaphore_mem>>
        %dma_start3A_81 = arith.constant 9360 : i32
        %dma_start3A_82 = arith.constant 0 : i32
        %dma_start3A_83 = tpu.memref_slice %arg10[%dma_start3A_81, %dma_start3A_82] : memref<10000x128xf32, #tpu.memory_space<vmem_shared>> -> memref<640x128xf32, #tpu.memory_space<vmem_shared>>
        %dma_start3A_84 = arith.constant 9360 : i32
        %dma_start3A_85 = arith.constant 0 : i32
        %dma_start3A_86 = tpu.memref_slice %arg5[%dma_start3A_84, %dma_start3A_85] : memref<10000x128xf32, #tpu.memory_space<hbm>> -> memref<640x128xf32, #tpu.memory_space<hbm>>
        tpu.enqueue_dma source(%dma_start3A_86 : memref<640x128xf32, #tpu.memory_space<hbm>>) target(%dma_start3A_83 : memref<640x128xf32, #tpu.memory_space<vmem_shared>>) target_semaphore(%run_scoped3A : memref<!tpu.dma_semaphore, #tpu.memory_space<semaphore_mem>>)
        %dma_wait3A = arith.constant 9360 : i32
        %dma_wait3A_87 = arith.constant 0 : i32
        %dma_wait3A_88 = tpu.memref_slice %arg10[%dma_wait3A, %dma_wait3A_87] : memref<10000x128xf32, #tpu.memory_space<vmem_shared>> -> memref<640x128xf32, #tpu.memory_space<vmem_shared>>
        %dma_wait3A_89 = arith.constant 9360 : i32
        %dma_wait3A_90 = arith.constant 0 : i32
        %dma_wait3A_91 = tpu.memref_slice %arg5[%dma_wait3A_89, %dma_wait3A_90] : memref<10000x128xf32, #tpu.memory_space<hbm>> -> memref<640x128xf32, #tpu.memory_space<hbm>>
        tpu.wait_dma2 semaphore(%run_scoped3A : memref<!tpu.dma_semaphore, #tpu.memory_space<semaphore_mem>>) src(%dma_wait3A_91 : memref<640x128xf32, #tpu.memory_space<hbm>>) dst(%dma_wait3A_88 : memref<640x128xf32, #tpu.memory_space<vmem_shared>>)
        tpu.yield
      }) : () -> ()
    } else {
    }
    %eq3A_14 = arith.constant 0 : i32
    %eq3A_15 = arith.cmpi eq, %arg0, %eq3A_14 : i32
    %convert_element_type3A_16 = arith.extui %eq3A_15 : i1 to i32
    %cond3A_17 = arith.constant 0 : i32
    %cond3A_18 = arith.cmpi ne, %convert_element_type3A_16, %cond3A_17 : i32
    scf.if %cond3A_18 {
      %mul3A_81 = arith.constant 72 : i32
      %mul3A_82 = arith.muli %add3A, %mul3A_81 : i32
      "tpu.region"() ({
        %run_scoped3A = tpu.sem_alloc : memref<!tpu.dma_semaphore, #tpu.memory_space<semaphore_mem>>
        %dma_start3A_83 = arith.constant 0 : i32
        %dma_start3A_84 = tpu.memref_slice %arg7[%dma_start3A_83] : memref<11520xi32, #tpu.memory_space<vmem>> -> memref<8640xi32, #tpu.memory_space<vmem>>
        %dma_start3A_85 = tpu.memref_slice %arg3[%mul3A_82] : memref<322560xi32, #tpu.memory_space<hbm>> -> memref<8640xi32, #tpu.memory_space<hbm>>
        %dma_start3A_86 = arith.constant 0 : i32
        %dma_start3A_87 = tpu.memref_slice %arg7[%dma_start3A_86] : memref<11520xi32, #tpu.memory_space<vmem>> -> memref<8640xi32, #tpu.memory_space<vmem>>
        %dma_start3A_88 = tpu.memref_slice %arg3[%mul3A_82] : memref<322560xi32, #tpu.memory_space<hbm>> -> memref<8640xi32, #tpu.memory_space<hbm>>
        tpu.enqueue_dma source(%dma_start3A_88 : memref<8640xi32, #tpu.memory_space<hbm>>) target(%dma_start3A_87 : memref<8640xi32, #tpu.memory_space<vmem>>) target_semaphore(%run_scoped3A : memref<!tpu.dma_semaphore, #tpu.memory_space<semaphore_mem>>)
        %dma_wait3A = arith.constant 0 : i32
        %dma_wait3A_89 = tpu.memref_slice %arg7[%dma_wait3A] : memref<11520xi32, #tpu.memory_space<vmem>> -> memref<8640xi32, #tpu.memory_space<vmem>>
        %dma_wait3A_90 = tpu.memref_slice %arg3[%mul3A_82] : memref<322560xi32, #tpu.memory_space<hbm>> -> memref<8640xi32, #tpu.memory_space<hbm>>
        %dma_wait3A_91 = arith.constant 0 : i32
        %dma_wait3A_92 = tpu.memref_slice %arg7[%dma_wait3A_91] : memref<11520xi32, #tpu.memory_space<vmem>> -> memref<8640xi32, #tpu.memory_space<vmem>>
        %dma_wait3A_93 = tpu.memref_slice %arg3[%mul3A_82] : memref<322560xi32, #tpu.memory_space<hbm>> -> memref<8640xi32, #tpu.memory_space<hbm>>
        tpu.wait_dma2 semaphore(%run_scoped3A : memref<!tpu.dma_semaphore, #tpu.memory_space<semaphore_mem>>) src(%dma_wait3A_93 : memref<8640xi32, #tpu.memory_space<hbm>>) dst(%dma_wait3A_92 : memref<8640xi32, #tpu.memory_space<vmem>>)
        tpu.yield
      }) : () -> ()
      "tpu.region"() ({
        %run_scoped3A = tpu.sem_alloc : memref<!tpu.dma_semaphore, #tpu.memory_space<semaphore_mem>>
        %dma_start3A_83 = arith.constant 0 : i32
        %dma_start3A_84 = arith.constant 0 : i32
        %dma_start3A_85 = tpu.memref_slice %arg8[%dma_start3A_83, %dma_start3A_84] : memref<160x72xi32, #tpu.memory_space<vmem>> -> memref<120x72xi32, #tpu.memory_space<vmem>>
        %dma_start3A_86 = arith.constant 0 : i32
        %dma_start3A_87 = tpu.memref_slice %arg4[%add3A, %dma_start3A_86] : memref<4480x72xi32, #tpu.memory_space<hbm>> -> memref<120x72xi32, #tpu.memory_space<hbm>>
        %dma_start3A_88 = arith.constant 0 : i32
        %dma_start3A_89 = arith.constant 0 : i32
        %dma_start3A_90 = tpu.memref_slice %arg8[%dma_start3A_88, %dma_start3A_89] : memref<160x72xi32, #tpu.memory_space<vmem>> -> memref<120x72xi32, #tpu.memory_space<vmem>>
        %dma_start3A_91 = arith.constant 0 : i32
        %dma_start3A_92 = tpu.memref_slice %arg4[%add3A, %dma_start3A_91] : memref<4480x72xi32, #tpu.memory_space<hbm>> -> memref<120x72xi32, #tpu.memory_space<hbm>>
        tpu.enqueue_dma source(%dma_start3A_92 : memref<120x72xi32, #tpu.memory_space<hbm>>) target(%dma_start3A_90 : memref<120x72xi32, #tpu.memory_space<vmem>>) target_semaphore(%run_scoped3A : memref<!tpu.dma_semaphore, #tpu.memory_space<semaphore_mem>>)
        %dma_wait3A = arith.constant 0 : i32
        %dma_wait3A_93 = arith.constant 0 : i32
        %dma_wait3A_94 = tpu.memref_slice %arg8[%dma_wait3A, %dma_wait3A_93] : memref<160x72xi32, #tpu.memory_space<vmem>> -> memref<120x72xi32, #tpu.memory_space<vmem>>
        %dma_wait3A_95 = arith.constant 0 : i32
        %dma_wait3A_96 = tpu.memref_slice %arg4[%add3A, %dma_wait3A_95] : memref<4480x72xi32, #tpu.memory_space<hbm>> -> memref<120x72xi32, #tpu.memory_space<hbm>>
        %dma_wait3A_97 = arith.constant 0 : i32
        %dma_wait3A_98 = arith.constant 0 : i32
        %dma_wait3A_99 = tpu.memref_slice %arg8[%dma_wait3A_97, %dma_wait3A_98] : memref<160x72xi32, #tpu.memory_space<vmem>> -> memref<120x72xi32, #tpu.memory_space<vmem>>
        %dma_wait3A_100 = arith.constant 0 : i32
        %dma_wait3A_101 = tpu.memref_slice %arg4[%add3A, %dma_wait3A_100] : memref<4480x72xi32, #tpu.memory_space<hbm>> -> memref<120x72xi32, #tpu.memory_space<hbm>>
        tpu.wait_dma2 semaphore(%run_scoped3A : memref<!tpu.dma_semaphore, #tpu.memory_space<semaphore_mem>>) src(%dma_wait3A_101 : memref<120x72xi32, #tpu.memory_space<hbm>>) dst(%dma_wait3A_99 : memref<120x72xi32, #tpu.memory_space<vmem>>)
        tpu.yield
      }) : () -> ()
    } else {
    }
    %eq3A_19 = arith.constant 1 : i32
    %eq3A_20 = arith.cmpi eq, %arg0, %eq3A_19 : i32
    %convert_element_type3A_21 = arith.extui %eq3A_20 : i1 to i32
    %cond3A_22 = arith.constant 0 : i32
    %cond3A_23 = arith.cmpi ne, %convert_element_type3A_21, %cond3A_22 : i32
    scf.if %cond3A_23 {
      %mul3A_81 = arith.constant 72 : i32
      %mul3A_82 = arith.muli %add3A, %mul3A_81 : i32
      "tpu.region"() ({
        %run_scoped3A = tpu.sem_alloc : memref<!tpu.dma_semaphore, #tpu.memory_space<semaphore_mem>>
        %dma_start3A_83 = tpu.memref_slice %arg3[%mul3A_82] : memref<322560xi32, #tpu.memory_space<hbm>> -> memref<11520xi32, #tpu.memory_space<hbm>>
        %dma_start3A_84 = tpu.memref_slice %arg3[%mul3A_82] : memref<322560xi32, #tpu.memory_space<hbm>> -> memref<11520xi32, #tpu.memory_space<hbm>>
        tpu.enqueue_dma source(%dma_start3A_84 : memref<11520xi32, #tpu.memory_space<hbm>>) target(%arg7 : memref<11520xi32, #tpu.memory_space<vmem>>) target_semaphore(%run_scoped3A : memref<!tpu.dma_semaphore, #tpu.memory_space<semaphore_mem>>)
        %dma_wait3A = tpu.memref_slice %arg3[%mul3A_82] : memref<322560xi32, #tpu.memory_space<hbm>> -> memref<11520xi32, #tpu.memory_space<hbm>>
        %dma_wait3A_85 = tpu.memref_slice %arg3[%mul3A_82] : memref<322560xi32, #tpu.memory_space<hbm>> -> memref<11520xi32, #tpu.memory_space<hbm>>
        tpu.wait_dma2 semaphore(%run_scoped3A : memref<!tpu.dma_semaphore, #tpu.memory_space<semaphore_mem>>) src(%dma_wait3A_85 : memref<11520xi32, #tpu.memory_space<hbm>>) dst(%arg7 : memref<11520xi32, #tpu.memory_space<vmem>>)
        tpu.yield
      }) : () -> ()
      "tpu.region"() ({
        %run_scoped3A = tpu.sem_alloc : memref<!tpu.dma_semaphore, #tpu.memory_space<semaphore_mem>>
        %dma_start3A_83 = arith.constant 0 : i32
        %dma_start3A_84 = tpu.memref_slice %arg4[%add3A, %dma_start3A_83] : memref<4480x72xi32, #tpu.memory_space<hbm>> -> memref<160x72xi32, #tpu.memory_space<hbm>>
        %dma_start3A_85 = arith.constant 0 : i32
        %dma_start3A_86 = tpu.memref_slice %arg4[%add3A, %dma_start3A_85] : memref<4480x72xi32, #tpu.memory_space<hbm>> -> memref<160x72xi32, #tpu.memory_space<hbm>>
        tpu.enqueue_dma source(%dma_start3A_86 : memref<160x72xi32, #tpu.memory_space<hbm>>) target(%arg8 : memref<160x72xi32, #tpu.memory_space<vmem>>) target_semaphore(%run_scoped3A : memref<!tpu.dma_semaphore, #tpu.memory_space<semaphore_mem>>)
        %dma_wait3A = arith.constant 0 : i32
        %dma_wait3A_87 = tpu.memref_slice %arg4[%add3A, %dma_wait3A] : memref<4480x72xi32, #tpu.memory_space<hbm>> -> memref<160x72xi32, #tpu.memory_space<hbm>>
        %dma_wait3A_88 = arith.constant 0 : i32
        %dma_wait3A_89 = tpu.memref_slice %arg4[%add3A, %dma_wait3A_88] : memref<4480x72xi32, #tpu.memory_space<hbm>> -> memref<160x72xi32, #tpu.memory_space<hbm>>
        tpu.wait_dma2 semaphore(%run_scoped3A : memref<!tpu.dma_semaphore, #tpu.memory_space<semaphore_mem>>) src(%dma_wait3A_89 : memref<160x72xi32, #tpu.memory_space<hbm>>) dst(%arg8 : memref<160x72xi32, #tpu.memory_space<vmem>>)
        tpu.yield
      }) : () -> ()
    } else {
    }
    %barrier3A = arith.constant 0 : index
    tpu.barrier barrier_id(%barrier3A)
    %dma_start3A = arith.constant 0 : i32
    %dma_start3A_24 = arith.constant 0 : i32
    %dma_start3A_25 = arith.constant 0 : i32
    %dma_start3A_26 = tpu.memref_slice %arg9[%dma_start3A, %dma_start3A_24, %dma_start3A_25] : memref<2x72x128xf32, #tpu.memory_space<vmem>> -> memref<1x72x128xf32, #tpu.memory_space<vmem>>
    %dma_start3A_27 = tpu.memref_squeeze %dma_start3A_26 : memref<1x72x128xf32, #tpu.memory_space<vmem>> -> memref<72x128xf32, #tpu.memory_space<vmem>>
    %dma_start3A_28 = arith.constant 0 : i32
    %dma_start3A_29 = tpu.memref_slice %arg7[%dma_start3A_28] : memref<11520xi32, #tpu.memory_space<vmem>> -> memref<72xi32, #tpu.memory_space<vmem>>
    %dma_start3A_30 = arith.constant 0 : i32
    %dma_start3A_31 = arith.constant 0 : i32
    %dma_start3A_32 = tpu.memref_slice %arg2[%dma_start3A_30, %dma_start3A_31] : memref<10008x128xf32, #tpu.memory_space<hbm>> -> memref<10008x128xf32, #tpu.memory_space<hbm>>
    tpu.enqueue_indirect_dma source(%dma_start3A_32 : memref<10008x128xf32, #tpu.memory_space<hbm>>) target(%dma_start3A_27 : memref<72x128xf32, #tpu.memory_space<vmem>>) offsets(%dma_start3A_29 : memref<72xi32, #tpu.memory_space<vmem>>) semaphore(%arg11 : memref<!tpu.dma_semaphore, #tpu.memory_space<semaphore_mem>>)
    %dma_start3A_33 = arith.constant 1 : i32
    %dma_start3A_34 = arith.constant 0 : i32
    %dma_start3A_35 = arith.constant 0 : i32
    %dma_start3A_36 = tpu.memref_slice %arg9[%dma_start3A_33, %dma_start3A_34, %dma_start3A_35] : memref<2x72x128xf32, #tpu.memory_space<vmem>> -> memref<1x72x128xf32, #tpu.memory_space<vmem>>
    %dma_start3A_37 = tpu.memref_squeeze %dma_start3A_36 : memref<1x72x128xf32, #tpu.memory_space<vmem>> -> memref<72x128xf32, #tpu.memory_space<vmem>>
    %dma_start3A_38 = arith.constant 72 : i32
    %dma_start3A_39 = tpu.memref_slice %arg7[%dma_start3A_38] : memref<11520xi32, #tpu.memory_space<vmem>> -> memref<72xi32, #tpu.memory_space<vmem>>
    %dma_start3A_40 = arith.constant 0 : i32
    %dma_start3A_41 = arith.constant 0 : i32
    %dma_start3A_42 = tpu.memref_slice %arg2[%dma_start3A_40, %dma_start3A_41] : memref<10008x128xf32, #tpu.memory_space<hbm>> -> memref<10008x128xf32, #tpu.memory_space<hbm>>
    tpu.enqueue_indirect_dma source(%dma_start3A_42 : memref<10008x128xf32, #tpu.memory_space<hbm>>) target(%dma_start3A_37 : memref<72x128xf32, #tpu.memory_space<vmem>>) offsets(%dma_start3A_39 : memref<72xi32, #tpu.memory_space<vmem>>) semaphore(%arg12 : memref<!tpu.dma_semaphore, #tpu.memory_space<semaphore_mem>>)
    %jit3A_43 = arith.constant 2 : i32
    %div3A = arith.divsi %select_n3A, %jit3A_43 : i32
    %sign3A = arith.constant 0 : i32
    %sign3A_44 = arith.cmpi sgt, %select_n3A, %sign3A : i32
    %sign3A_45 = arith.extui %sign3A_44 : i1 to i32
    %sign3A_46 = arith.constant 0 : i32
    %sign3A_47 = arith.cmpi slt, %select_n3A, %sign3A_46 : i32
    %sign3A_48 = arith.extui %sign3A_47 : i1 to i32
    %sign3A_49 = arith.subi %sign3A_45, %sign3A_48 : i32
    %sign3A_50 = arith.constant 0 : i32
    %sign3A_51 = arith.cmpi sgt, %jit3A_43, %sign3A_50 : i32
    %sign3A_52 = arith.extui %sign3A_51 : i1 to i32
    %sign3A_53 = arith.constant 0 : i32
    %sign3A_54 = arith.cmpi slt, %jit3A_43, %sign3A_53 : i32
    %sign3A_55 = arith.extui %sign3A_54 : i1 to i32
    %sign3A_56 = arith.subi %sign3A_52, %sign3A_55 : i32
    %ne3A = arith.cmpi ne, %sign3A_49, %sign3A_56 : i32
    %rem3A = arith.remsi %select_n3A, %jit3A_43 : i32
    %ne3A_57 = arith.constant 0 : i32
    %ne3A_58 = arith.cmpi ne, %rem3A, %ne3A_57 : i32
    %and3A = arith.andi %ne3A, %ne3A_58 : i1
    %sub3A = arith.constant 1 : i32
    %sub3A_59 = arith.subi %div3A, %sub3A : i32
    %select_n3A_60 = arith.select %and3A, %sub3A_59, %div3A : i32
    %while3A = arith.constant 0 : i32
    %while3A_61 = arith.constant 0 : i32
    %while3A_62 = arith.subi %select_n3A_60, %while3A_61 : i32
    %while3A_63 = arith.addi %while3A_61, %while3A_62 : i32
    %while3A_64 = arith.constant 1 : i32
    %while3A_65 = arith.divsi %while3A_62, %while3A_64 : i32
    %while3A_66 = arith.muli %while3A_65, %while3A_64 : i32
    %while3A_67 = arith.addi %while3A_61, %while3A_66 : i32
    %while3A_68 = arith.constant 1 : i32
    scf.for %while3A_81 = %while3A_61 to %while3A_67 step %while3A_68  : i32 {
      %mul3A_82 = arith.constant 2 : i32
      %mul3A_83 = arith.muli %mul3A_82, %while3A_81 : i32
      %add3A_84 = arith.constant 0 : i32
      %add3A_85 = arith.addi %mul3A_83, %add3A_84 : i32
      %mul3A_86 = arith.constant 72 : i32
      %mul3A_87 = arith.muli %add3A_85, %mul3A_86 : i32
      %dma_wait3A = arith.constant 0 : i32
      %dma_wait3A_88 = arith.constant 0 : i32
      %dma_wait3A_89 = arith.constant 0 : i32
      %dma_wait3A_90 = tpu.memref_slice %arg9[%dma_wait3A, %dma_wait3A_88, %dma_wait3A_89] : memref<2x72x128xf32, #tpu.memory_space<vmem>> -> memref<1x72x128xf32, #tpu.memory_space<vmem>>
      %dma_wait3A_91 = tpu.memref_squeeze %dma_wait3A_90 : memref<1x72x128xf32, #tpu.memory_space<vmem>> -> memref<72x128xf32, #tpu.memory_space<vmem>>
      %dma_wait3A_92 = tpu.memref_slice %arg7[%mul3A_87] : memref<11520xi32, #tpu.memory_space<vmem>> -> memref<72xi32, #tpu.memory_space<vmem>>
      %dma_wait3A_93 = arith.constant 0 : i32
      %dma_wait3A_94 = arith.constant 0 : i32
      %dma_wait3A_95 = tpu.memref_slice %arg2[%dma_wait3A_93, %dma_wait3A_94] : memref<10008x128xf32, #tpu.memory_space<hbm>> -> memref<10008x128xf32, #tpu.memory_space<hbm>>
      tpu.wait_indirect_dma semaphore(%arg11 : memref<!tpu.dma_semaphore, #tpu.memory_space<semaphore_mem>>) src(%dma_wait3A_95 : memref<10008x128xf32, #tpu.memory_space<hbm>>) dst(%dma_wait3A_91 : memref<72x128xf32, #tpu.memory_space<vmem>>)
      %run_scoped3A = arith.constant 0 : i32
      "tpu.region"() ({
        %run_scoped3A_124 = tpu.sem_alloc : memref<!tpu.dma_semaphore, #tpu.memory_space<semaphore_mem>>
        %dma_start3A_125 = arith.constant 0 : i32
        %dma_start3A_126 = arith.constant 0 : i32
        %dma_start3A_127 = tpu.memref_slice %arg9[%run_scoped3A, %dma_start3A_125, %dma_start3A_126] : memref<2x72x128xf32, #tpu.memory_space<vmem>> -> memref<1x72x128xf32, #tpu.memory_space<vmem>>
        %dma_start3A_128 = tpu.memref_squeeze %dma_start3A_127 : memref<1x72x128xf32, #tpu.memory_space<vmem>> -> memref<72x128xf32, #tpu.memory_space<vmem>>
        %dma_start3A_129 = arith.constant 0 : i32
        %dma_start3A_130 = tpu.memref_slice %arg8[%add3A_85, %dma_start3A_129] : memref<160x72xi32, #tpu.memory_space<vmem>> -> memref<1x72xi32, #tpu.memory_space<vmem>>
        %dma_start3A_131 = tpu.memref_squeeze %dma_start3A_130 : memref<1x72xi32, #tpu.memory_space<vmem>> -> memref<72xi32, #tpu.memory_space<vmem>>
        %dma_start3A_132 = arith.constant 0 : i32
        %dma_start3A_133 = arith.constant 0 : i32
        %dma_start3A_134 = tpu.memref_slice %arg10[%dma_start3A_132, %dma_start3A_133] : memref<10000x128xf32, #tpu.memory_space<vmem_shared>> -> memref<10000x128xf32, #tpu.memory_space<vmem_shared>>
        tpu.enqueue_indirect_dma source(%dma_start3A_128 : memref<72x128xf32, #tpu.memory_space<vmem>>) target(%dma_start3A_134 : memref<10000x128xf32, #tpu.memory_space<vmem_shared>>) offsets(%dma_start3A_131 : memref<72xi32, #tpu.memory_space<vmem>>) semaphore(%run_scoped3A_124 : memref<!tpu.dma_semaphore, #tpu.memory_space<semaphore_mem>>) {add = true}
        %dma_wait3A_135 = arith.constant 0 : i32
        %dma_wait3A_136 = arith.constant 0 : i32
        %dma_wait3A_137 = tpu.memref_slice %arg9[%run_scoped3A, %dma_wait3A_135, %dma_wait3A_136] : memref<2x72x128xf32, #tpu.memory_space<vmem>> -> memref<1x72x128xf32, #tpu.memory_space<vmem>>
        %dma_wait3A_138 = tpu.memref_squeeze %dma_wait3A_137 : memref<1x72x128xf32, #tpu.memory_space<vmem>> -> memref<72x128xf32, #tpu.memory_space<vmem>>
        %dma_wait3A_139 = arith.constant 0 : i32
        %dma_wait3A_140 = tpu.memref_slice %arg8[%add3A_85, %dma_wait3A_139] : memref<160x72xi32, #tpu.memory_space<vmem>> -> memref<1x72xi32, #tpu.memory_space<vmem>>
        %dma_wait3A_141 = tpu.memref_squeeze %dma_wait3A_140 : memref<1x72xi32, #tpu.memory_space<vmem>> -> memref<72xi32, #tpu.memory_space<vmem>>
        %dma_wait3A_142 = arith.constant 0 : i32
        %dma_wait3A_143 = arith.constant 0 : i32
        %dma_wait3A_144 = tpu.memref_slice %arg10[%dma_wait3A_142, %dma_wait3A_143] : memref<10000x128xf32, #tpu.memory_space<vmem_shared>> -> memref<10000x128xf32, #tpu.memory_space<vmem_shared>>
        tpu.wait_indirect_dma semaphore(%run_scoped3A_124 : memref<!tpu.dma_semaphore, #tpu.memory_space<semaphore_mem>>) src(%dma_wait3A_138 : memref<72x128xf32, #tpu.memory_space<vmem>>) dst(%dma_wait3A_144 : memref<10000x128xf32, #tpu.memory_space<vmem_shared>>)
        tpu.yield
      }) : () -> ()
      %add3A_96 = arith.constant 2 : i32
      %add3A_97 = arith.addi %add3A_85, %add3A_96 : i32
      %lt3A_98 = arith.cmpi slt, %add3A_97, %select_n3A : i32
      %convert_element_type3A_99 = arith.extui %lt3A_98 : i1 to i32
      %cond3A_100 = arith.constant 0 : i32
      %cond3A_101 = arith.cmpi ne, %convert_element_type3A_99, %cond3A_100 : i32
      scf.if %cond3A_101 {
        %mul3A_124 = arith.constant 72 : i32
        %mul3A_125 = arith.muli %add3A_97, %mul3A_124 : i32
        %dma_start3A_126 = arith.constant 0 : i32
        %dma_start3A_127 = arith.constant 0 : i32
        %dma_start3A_128 = arith.constant 0 : i32
        %dma_start3A_129 = tpu.memref_slice %arg9[%dma_start3A_126, %dma_start3A_127, %dma_start3A_128] : memref<2x72x128xf32, #tpu.memory_space<vmem>> -> memref<1x72x128xf32, #tpu.memory_space<vmem>>
        %dma_start3A_130 = tpu.memref_squeeze %dma_start3A_129 : memref<1x72x128xf32, #tpu.memory_space<vmem>> -> memref<72x128xf32, #tpu.memory_space<vmem>>
        %dma_start3A_131 = tpu.memref_slice %arg7[%mul3A_125] : memref<11520xi32, #tpu.memory_space<vmem>> -> memref<72xi32, #tpu.memory_space<vmem>>
        %dma_start3A_132 = arith.constant 0 : i32
        %dma_start3A_133 = arith.constant 0 : i32
        %dma_start3A_134 = tpu.memref_slice %arg2[%dma_start3A_132, %dma_start3A_133] : memref<10008x128xf32, #tpu.memory_space<hbm>> -> memref<10008x128xf32, #tpu.memory_space<hbm>>
        tpu.enqueue_indirect_dma source(%dma_start3A_134 : memref<10008x128xf32, #tpu.memory_space<hbm>>) target(%dma_start3A_130 : memref<72x128xf32, #tpu.memory_space<vmem>>) offsets(%dma_start3A_131 : memref<72xi32, #tpu.memory_space<vmem>>) semaphore(%arg11 : memref<!tpu.dma_semaphore, #tpu.memory_space<semaphore_mem>>)
      } else {
      }
      %mul3A_102 = arith.constant 2 : i32
      %mul3A_103 = arith.muli %mul3A_102, %while3A_81 : i32
      %add3A_104 = arith.constant 1 : i32
      %add3A_105 = arith.addi %mul3A_103, %add3A_104 : i32
      %mul3A_106 = arith.constant 72 : i32
      %mul3A_107 = arith.muli %add3A_105, %mul3A_106 : i32
      %dma_wait3A_108 = arith.constant 1 : i32
      %dma_wait3A_109 = arith.constant 0 : i32
      %dma_wait3A_110 = arith.constant 0 : i32
      %dma_wait3A_111 = tpu.memref_slice %arg9[%dma_wait3A_108, %dma_wait3A_109, %dma_wait3A_110] : memref<2x72x128xf32, #tpu.memory_space<vmem>> -> memref<1x72x128xf32, #tpu.memory_space<vmem>>
      %dma_wait3A_112 = tpu.memref_squeeze %dma_wait3A_111 : memref<1x72x128xf32, #tpu.memory_space<vmem>> -> memref<72x128xf32, #tpu.memory_space<vmem>>
      %dma_wait3A_113 = tpu.memref_slice %arg7[%mul3A_107] : memref<11520xi32, #tpu.memory_space<vmem>> -> memref<72xi32, #tpu.memory_space<vmem>>
      %dma_wait3A_114 = arith.constant 0 : i32
      %dma_wait3A_115 = arith.constant 0 : i32
      %dma_wait3A_116 = tpu.memref_slice %arg2[%dma_wait3A_114, %dma_wait3A_115] : memref<10008x128xf32, #tpu.memory_space<hbm>> -> memref<10008x128xf32, #tpu.memory_space<hbm>>
      tpu.wait_indirect_dma semaphore(%arg12 : memref<!tpu.dma_semaphore, #tpu.memory_space<semaphore_mem>>) src(%dma_wait3A_116 : memref<10008x128xf32, #tpu.memory_space<hbm>>) dst(%dma_wait3A_112 : memref<72x128xf32, #tpu.memory_space<vmem>>)
      %run_scoped3A_117 = arith.constant 1 : i32
      "tpu.region"() ({
        %run_scoped3A_124 = tpu.sem_alloc : memref<!tpu.dma_semaphore, #tpu.memory_space<semaphore_mem>>
        %dma_start3A_125 = arith.constant 0 : i32
        %dma_start3A_126 = arith.constant 0 : i32
        %dma_start3A_127 = tpu.memref_slice %arg9[%run_scoped3A_117, %dma_start3A_125, %dma_start3A_126] : memref<2x72x128xf32, #tpu.memory_space<vmem>> -> memref<1x72x128xf32, #tpu.memory_space<vmem>>
        %dma_start3A_128 = tpu.memref_squeeze %dma_start3A_127 : memref<1x72x128xf32, #tpu.memory_space<vmem>> -> memref<72x128xf32, #tpu.memory_space<vmem>>
        %dma_start3A_129 = arith.constant 0 : i32
        %dma_start3A_130 = tpu.memref_slice %arg8[%add3A_105, %dma_start3A_129] : memref<160x72xi32, #tpu.memory_space<vmem>> -> memref<1x72xi32, #tpu.memory_space<vmem>>
        %dma_start3A_131 = tpu.memref_squeeze %dma_start3A_130 : memref<1x72xi32, #tpu.memory_space<vmem>> -> memref<72xi32, #tpu.memory_space<vmem>>
        %dma_start3A_132 = arith.constant 0 : i32
        %dma_start3A_133 = arith.constant 0 : i32
        %dma_start3A_134 = tpu.memref_slice %arg10[%dma_start3A_132, %dma_start3A_133] : memref<10000x128xf32, #tpu.memory_space<vmem_shared>> -> memref<10000x128xf32, #tpu.memory_space<vmem_shared>>
        tpu.enqueue_indirect_dma source(%dma_start3A_128 : memref<72x128xf32, #tpu.memory_space<vmem>>) target(%dma_start3A_134 : memref<10000x128xf32, #tpu.memory_space<vmem_shared>>) offsets(%dma_start3A_131 : memref<72xi32, #tpu.memory_space<vmem>>) semaphore(%run_scoped3A_124 : memref<!tpu.dma_semaphore, #tpu.memory_space<semaphore_mem>>) {add = true}
        %dma_wait3A_135 = arith.constant 0 : i32
        %dma_wait3A_136 = arith.constant 0 : i32
        %dma_wait3A_137 = tpu.memref_slice %arg9[%run_scoped3A_117, %dma_wait3A_135, %dma_wait3A_136] : memref<2x72x128xf32, #tpu.memory_space<vmem>> -> memref<1x72x128xf32, #tpu.memory_space<vmem>>
        %dma_wait3A_138 = tpu.memref_squeeze %dma_wait3A_137 : memref<1x72x128xf32, #tpu.memory_space<vmem>> -> memref<72x128xf32, #tpu.memory_space<vmem>>
        %dma_wait3A_139 = arith.constant 0 : i32
        %dma_wait3A_140 = tpu.memref_slice %arg8[%add3A_105, %dma_wait3A_139] : memref<160x72xi32, #tpu.memory_space<vmem>> -> memref<1x72xi32, #tpu.memory_space<vmem>>
        %dma_wait3A_141 = tpu.memref_squeeze %dma_wait3A_140 : memref<1x72xi32, #tpu.memory_space<vmem>> -> memref<72xi32, #tpu.memory_space<vmem>>
        %dma_wait3A_142 = arith.constant 0 : i32
        %dma_wait3A_143 = arith.constant 0 : i32
        %dma_wait3A_144 = tpu.memref_slice %arg10[%dma_wait3A_142, %dma_wait3A_143] : memref<10000x128xf32, #tpu.memory_space<vmem_shared>> -> memref<10000x128xf32, #tpu.memory_space<vmem_shared>>
        tpu.wait_indirect_dma semaphore(%run_scoped3A_124 : memref<!tpu.dma_semaphore, #tpu.memory_space<semaphore_mem>>) src(%dma_wait3A_138 : memref<72x128xf32, #tpu.memory_space<vmem>>) dst(%dma_wait3A_144 : memref<10000x128xf32, #tpu.memory_space<vmem_shared>>)
        tpu.yield
      }) : () -> ()
      %add3A_118 = arith.constant 2 : i32
      %add3A_119 = arith.addi %add3A_105, %add3A_118 : i32
      %lt3A_120 = arith.cmpi slt, %add3A_119, %select_n3A : i32
      %convert_element_type3A_121 = arith.extui %lt3A_120 : i1 to i32
      %cond3A_122 = arith.constant 0 : i32
      %cond3A_123 = arith.cmpi ne, %convert_element_type3A_121, %cond3A_122 : i32
      scf.if %cond3A_123 {
        %mul3A_124 = arith.constant 72 : i32
        %mul3A_125 = arith.muli %add3A_119, %mul3A_124 : i32
        %dma_start3A_126 = arith.constant 1 : i32
        %dma_start3A_127 = arith.constant 0 : i32
        %dma_start3A_128 = arith.constant 0 : i32
        %dma_start3A_129 = tpu.memref_slice %arg9[%dma_start3A_126, %dma_start3A_127, %dma_start3A_128] : memref<2x72x128xf32, #tpu.memory_space<vmem>> -> memref<1x72x128xf32, #tpu.memory_space<vmem>>
        %dma_start3A_130 = tpu.memref_squeeze %dma_start3A_129 : memref<1x72x128xf32, #tpu.memory_space<vmem>> -> memref<72x128xf32, #tpu.memory_space<vmem>>
        %dma_start3A_131 = tpu.memref_slice %arg7[%mul3A_125] : memref<11520xi32, #tpu.memory_space<vmem>> -> memref<72xi32, #tpu.memory_space<vmem>>
        %dma_start3A_132 = arith.constant 0 : i32
        %dma_start3A_133 = arith.constant 0 : i32
        %dma_start3A_134 = tpu.memref_slice %arg2[%dma_start3A_132, %dma_start3A_133] : memref<10008x128xf32, #tpu.memory_space<hbm>> -> memref<10008x128xf32, #tpu.memory_space<hbm>>
        tpu.enqueue_indirect_dma source(%dma_start3A_134 : memref<10008x128xf32, #tpu.memory_space<hbm>>) target(%dma_start3A_130 : memref<72x128xf32, #tpu.memory_space<vmem>>) offsets(%dma_start3A_131 : memref<72xi32, #tpu.memory_space<vmem>>) semaphore(%arg12 : memref<!tpu.dma_semaphore, #tpu.memory_space<semaphore_mem>>)
      } else {
      }
    }
    %while3A_69 = arith.constant 1 : i32
    scf.for %while3A_81 = %while3A_67 to %while3A_63 step %while3A_69  : i32 {
      %mul3A_82 = arith.constant 2 : i32
      %mul3A_83 = arith.muli %mul3A_82, %while3A_81 : i32
      %add3A_84 = arith.constant 0 : i32
      %add3A_85 = arith.addi %mul3A_83, %add3A_84 : i32
      %mul3A_86 = arith.constant 72 : i32
      %mul3A_87 = arith.muli %add3A_85, %mul3A_86 : i32
      %dma_wait3A = arith.constant 0 : i32
      %dma_wait3A_88 = arith.constant 0 : i32
      %dma_wait3A_89 = arith.constant 0 : i32
      %dma_wait3A_90 = tpu.memref_slice %arg9[%dma_wait3A, %dma_wait3A_88, %dma_wait3A_89] : memref<2x72x128xf32, #tpu.memory_space<vmem>> -> memref<1x72x128xf32, #tpu.memory_space<vmem>>
      %dma_wait3A_91 = tpu.memref_squeeze %dma_wait3A_90 : memref<1x72x128xf32, #tpu.memory_space<vmem>> -> memref<72x128xf32, #tpu.memory_space<vmem>>
      %dma_wait3A_92 = tpu.memref_slice %arg7[%mul3A_87] : memref<11520xi32, #tpu.memory_space<vmem>> -> memref<72xi32, #tpu.memory_space<vmem>>
      %dma_wait3A_93 = arith.constant 0 : i32
      %dma_wait3A_94 = arith.constant 0 : i32
      %dma_wait3A_95 = tpu.memref_slice %arg2[%dma_wait3A_93, %dma_wait3A_94] : memref<10008x128xf32, #tpu.memory_space<hbm>> -> memref<10008x128xf32, #tpu.memory_space<hbm>>
      tpu.wait_indirect_dma semaphore(%arg11 : memref<!tpu.dma_semaphore, #tpu.memory_space<semaphore_mem>>) src(%dma_wait3A_95 : memref<10008x128xf32, #tpu.memory_space<hbm>>) dst(%dma_wait3A_91 : memref<72x128xf32, #tpu.memory_space<vmem>>)
      %run_scoped3A = arith.constant 0 : i32
      "tpu.region"() ({
        %run_scoped3A_124 = tpu.sem_alloc : memref<!tpu.dma_semaphore, #tpu.memory_space<semaphore_mem>>
        %dma_start3A_125 = arith.constant 0 : i32
        %dma_start3A_126 = arith.constant 0 : i32
        %dma_start3A_127 = tpu.memref_slice %arg9[%run_scoped3A, %dma_start3A_125, %dma_start3A_126] : memref<2x72x128xf32, #tpu.memory_space<vmem>> -> memref<1x72x128xf32, #tpu.memory_space<vmem>>
        %dma_start3A_128 = tpu.memref_squeeze %dma_start3A_127 : memref<1x72x128xf32, #tpu.memory_space<vmem>> -> memref<72x128xf32, #tpu.memory_space<vmem>>
        %dma_start3A_129 = arith.constant 0 : i32
        %dma_start3A_130 = tpu.memref_slice %arg8[%add3A_85, %dma_start3A_129] : memref<160x72xi32, #tpu.memory_space<vmem>> -> memref<1x72xi32, #tpu.memory_space<vmem>>
        %dma_start3A_131 = tpu.memref_squeeze %dma_start3A_130 : memref<1x72xi32, #tpu.memory_space<vmem>> -> memref<72xi32, #tpu.memory_space<vmem>>
        %dma_start3A_132 = arith.constant 0 : i32
        %dma_start3A_133 = arith.constant 0 : i32
        %dma_start3A_134 = tpu.memref_slice %arg10[%dma_start3A_132, %dma_start3A_133] : memref<10000x128xf32, #tpu.memory_space<vmem_shared>> -> memref<10000x128xf32, #tpu.memory_space<vmem_shared>>
        tpu.enqueue_indirect_dma source(%dma_start3A_128 : memref<72x128xf32, #tpu.memory_space<vmem>>) target(%dma_start3A_134 : memref<10000x128xf32, #tpu.memory_space<vmem_shared>>) offsets(%dma_start3A_131 : memref<72xi32, #tpu.memory_space<vmem>>) semaphore(%run_scoped3A_124 : memref<!tpu.dma_semaphore, #tpu.memory_space<semaphore_mem>>) {add = true}
        %dma_wait3A_135 = arith.constant 0 : i32
        %dma_wait3A_136 = arith.constant 0 : i32
        %dma_wait3A_137 = tpu.memref_slice %arg9[%run_scoped3A, %dma_wait3A_135, %dma_wait3A_136] : memref<2x72x128xf32, #tpu.memory_space<vmem>> -> memref<1x72x128xf32, #tpu.memory_space<vmem>>
        %dma_wait3A_138 = tpu.memref_squeeze %dma_wait3A_137 : memref<1x72x128xf32, #tpu.memory_space<vmem>> -> memref<72x128xf32, #tpu.memory_space<vmem>>
        %dma_wait3A_139 = arith.constant 0 : i32
        %dma_wait3A_140 = tpu.memref_slice %arg8[%add3A_85, %dma_wait3A_139] : memref<160x72xi32, #tpu.memory_space<vmem>> -> memref<1x72xi32, #tpu.memory_space<vmem>>
        %dma_wait3A_141 = tpu.memref_squeeze %dma_wait3A_140 : memref<1x72xi32, #tpu.memory_space<vmem>> -> memref<72xi32, #tpu.memory_space<vmem>>
        %dma_wait3A_142 = arith.constant 0 : i32
        %dma_wait3A_143 = arith.constant 0 : i32
        %dma_wait3A_144 = tpu.memref_slice %arg10[%dma_wait3A_142, %dma_wait3A_143] : memref<10000x128xf32, #tpu.memory_space<vmem_shared>> -> memref<10000x128xf32, #tpu.memory_space<vmem_shared>>
        tpu.wait_indirect_dma semaphore(%run_scoped3A_124 : memref<!tpu.dma_semaphore, #tpu.memory_space<semaphore_mem>>) src(%dma_wait3A_138 : memref<72x128xf32, #tpu.memory_space<vmem>>) dst(%dma_wait3A_144 : memref<10000x128xf32, #tpu.memory_space<vmem_shared>>)
        tpu.yield
      }) : () -> ()
      %add3A_96 = arith.constant 2 : i32
      %add3A_97 = arith.addi %add3A_85, %add3A_96 : i32
      %lt3A_98 = arith.cmpi slt, %add3A_97, %select_n3A : i32
      %convert_element_type3A_99 = arith.extui %lt3A_98 : i1 to i32
      %cond3A_100 = arith.constant 0 : i32
      %cond3A_101 = arith.cmpi ne, %convert_element_type3A_99, %cond3A_100 : i32
      scf.if %cond3A_101 {
        %mul3A_124 = arith.constant 72 : i32
        %mul3A_125 = arith.muli %add3A_97, %mul3A_124 : i32
        %dma_start3A_126 = arith.constant 0 : i32
        %dma_start3A_127 = arith.constant 0 : i32
        %dma_start3A_128 = arith.constant 0 : i32
        %dma_start3A_129 = tpu.memref_slice %arg9[%dma_start3A_126, %dma_start3A_127, %dma_start3A_128] : memref<2x72x128xf32, #tpu.memory_space<vmem>> -> memref<1x72x128xf32, #tpu.memory_space<vmem>>
        %dma_start3A_130 = tpu.memref_squeeze %dma_start3A_129 : memref<1x72x128xf32, #tpu.memory_space<vmem>> -> memref<72x128xf32, #tpu.memory_space<vmem>>
        %dma_start3A_131 = tpu.memref_slice %arg7[%mul3A_125] : memref<11520xi32, #tpu.memory_space<vmem>> -> memref<72xi32, #tpu.memory_space<vmem>>
        %dma_start3A_132 = arith.constant 0 : i32
        %dma_start3A_133 = arith.constant 0 : i32
        %dma_start3A_134 = tpu.memref_slice %arg2[%dma_start3A_132, %dma_start3A_133] : memref<10008x128xf32, #tpu.memory_space<hbm>> -> memref<10008x128xf32, #tpu.memory_space<hbm>>
        tpu.enqueue_indirect_dma source(%dma_start3A_134 : memref<10008x128xf32, #tpu.memory_space<hbm>>) target(%dma_start3A_130 : memref<72x128xf32, #tpu.memory_space<vmem>>) offsets(%dma_start3A_131 : memref<72xi32, #tpu.memory_space<vmem>>) semaphore(%arg11 : memref<!tpu.dma_semaphore, #tpu.memory_space<semaphore_mem>>)
      } else {
      }
      %mul3A_102 = arith.constant 2 : i32
      %mul3A_103 = arith.muli %mul3A_102, %while3A_81 : i32
      %add3A_104 = arith.constant 1 : i32
      %add3A_105 = arith.addi %mul3A_103, %add3A_104 : i32
      %mul3A_106 = arith.constant 72 : i32
      %mul3A_107 = arith.muli %add3A_105, %mul3A_106 : i32
      %dma_wait3A_108 = arith.constant 1 : i32
      %dma_wait3A_109 = arith.constant 0 : i32
      %dma_wait3A_110 = arith.constant 0 : i32
      %dma_wait3A_111 = tpu.memref_slice %arg9[%dma_wait3A_108, %dma_wait3A_109, %dma_wait3A_110] : memref<2x72x128xf32, #tpu.memory_space<vmem>> -> memref<1x72x128xf32, #tpu.memory_space<vmem>>
      %dma_wait3A_112 = tpu.memref_squeeze %dma_wait3A_111 : memref<1x72x128xf32, #tpu.memory_space<vmem>> -> memref<72x128xf32, #tpu.memory_space<vmem>>
      %dma_wait3A_113 = tpu.memref_slice %arg7[%mul3A_107] : memref<11520xi32, #tpu.memory_space<vmem>> -> memref<72xi32, #tpu.memory_space<vmem>>
      %dma_wait3A_114 = arith.constant 0 : i32
      %dma_wait3A_115 = arith.constant 0 : i32
      %dma_wait3A_116 = tpu.memref_slice %arg2[%dma_wait3A_114, %dma_wait3A_115] : memref<10008x128xf32, #tpu.memory_space<hbm>> -> memref<10008x128xf32, #tpu.memory_space<hbm>>
      tpu.wait_indirect_dma semaphore(%arg12 : memref<!tpu.dma_semaphore, #tpu.memory_space<semaphore_mem>>) src(%dma_wait3A_116 : memref<10008x128xf32, #tpu.memory_space<hbm>>) dst(%dma_wait3A_112 : memref<72x128xf32, #tpu.memory_space<vmem>>)
      %run_scoped3A_117 = arith.constant 1 : i32
      "tpu.region"() ({
        %run_scoped3A_124 = tpu.sem_alloc : memref<!tpu.dma_semaphore, #tpu.memory_space<semaphore_mem>>
        %dma_start3A_125 = arith.constant 0 : i32
        %dma_start3A_126 = arith.constant 0 : i32
        %dma_start3A_127 = tpu.memref_slice %arg9[%run_scoped3A_117, %dma_start3A_125, %dma_start3A_126] : memref<2x72x128xf32, #tpu.memory_space<vmem>> -> memref<1x72x128xf32, #tpu.memory_space<vmem>>
        %dma_start3A_128 = tpu.memref_squeeze %dma_start3A_127 : memref<1x72x128xf32, #tpu.memory_space<vmem>> -> memref<72x128xf32, #tpu.memory_space<vmem>>
        %dma_start3A_129 = arith.constant 0 : i32
        %dma_start3A_130 = tpu.memref_slice %arg8[%add3A_105, %dma_start3A_129] : memref<160x72xi32, #tpu.memory_space<vmem>> -> memref<1x72xi32, #tpu.memory_space<vmem>>
        %dma_start3A_131 = tpu.memref_squeeze %dma_start3A_130 : memref<1x72xi32, #tpu.memory_space<vmem>> -> memref<72xi32, #tpu.memory_space<vmem>>
        %dma_start3A_132 = arith.constant 0 : i32
        %dma_start3A_133 = arith.constant 0 : i32
        %dma_start3A_134 = tpu.memref_slice %arg10[%dma_start3A_132, %dma_start3A_133] : memref<10000x128xf32, #tpu.memory_space<vmem_shared>> -> memref<10000x128xf32, #tpu.memory_space<vmem_shared>>
        tpu.enqueue_indirect_dma source(%dma_start3A_128 : memref<72x128xf32, #tpu.memory_space<vmem>>) target(%dma_start3A_134 : memref<10000x128xf32, #tpu.memory_space<vmem_shared>>) offsets(%dma_start3A_131 : memref<72xi32, #tpu.memory_space<vmem>>) semaphore(%run_scoped3A_124 : memref<!tpu.dma_semaphore, #tpu.memory_space<semaphore_mem>>) {add = true}
        %dma_wait3A_135 = arith.constant 0 : i32
        %dma_wait3A_136 = arith.constant 0 : i32
        %dma_wait3A_137 = tpu.memref_slice %arg9[%run_scoped3A_117, %dma_wait3A_135, %dma_wait3A_136] : memref<2x72x128xf32, #tpu.memory_space<vmem>> -> memref<1x72x128xf32, #tpu.memory_space<vmem>>
        %dma_wait3A_138 = tpu.memref_squeeze %dma_wait3A_137 : memref<1x72x128xf32, #tpu.memory_space<vmem>> -> memref<72x128xf32, #tpu.memory_space<vmem>>
        %dma_wait3A_139 = arith.constant 0 : i32
        %dma_wait3A_140 = tpu.memref_slice %arg8[%add3A_105, %dma_wait3A_139] : memref<160x72xi32, #tpu.memory_space<vmem>> -> memref<1x72xi32, #tpu.memory_space<vmem>>
        %dma_wait3A_141 = tpu.memref_squeeze %dma_wait3A_140 : memref<1x72xi32, #tpu.memory_space<vmem>> -> memref<72xi32, #tpu.memory_space<vmem>>
        %dma_wait3A_142 = arith.constant 0 : i32
        %dma_wait3A_143 = arith.constant 0 : i32
        %dma_wait3A_144 = tpu.memref_slice %arg10[%dma_wait3A_142, %dma_wait3A_143] : memref<10000x128xf32, #tpu.memory_space<vmem_shared>> -> memref<10000x128xf32, #tpu.memory_space<vmem_shared>>
        tpu.wait_indirect_dma semaphore(%run_scoped3A_124 : memref<!tpu.dma_semaphore, #tpu.memory_space<semaphore_mem>>) src(%dma_wait3A_138 : memref<72x128xf32, #tpu.memory_space<vmem>>) dst(%dma_wait3A_144 : memref<10000x128xf32, #tpu.memory_space<vmem_shared>>)
        tpu.yield
      }) : () -> ()
      %add3A_118 = arith.constant 2 : i32
      %add3A_119 = arith.addi %add3A_105, %add3A_118 : i32
      %lt3A_120 = arith.cmpi slt, %add3A_119, %select_n3A : i32
      %convert_element_type3A_121 = arith.extui %lt3A_120 : i1 to i32
      %cond3A_122 = arith.constant 0 : i32
      %cond3A_123 = arith.cmpi ne, %convert_element_type3A_121, %cond3A_122 : i32
      scf.if %cond3A_123 {
        %mul3A_124 = arith.constant 72 : i32
        %mul3A_125 = arith.muli %add3A_119, %mul3A_124 : i32
        %dma_start3A_126 = arith.constant 1 : i32
        %dma_start3A_127 = arith.constant 0 : i32
        %dma_start3A_128 = arith.constant 0 : i32
        %dma_start3A_129 = tpu.memref_slice %arg9[%dma_start3A_126, %dma_start3A_127, %dma_start3A_128] : memref<2x72x128xf32, #tpu.memory_space<vmem>> -> memref<1x72x128xf32, #tpu.memory_space<vmem>>
        %dma_start3A_130 = tpu.memref_squeeze %dma_start3A_129 : memref<1x72x128xf32, #tpu.memory_space<vmem>> -> memref<72x128xf32, #tpu.memory_space<vmem>>
        %dma_start3A_131 = tpu.memref_slice %arg7[%mul3A_125] : memref<11520xi32, #tpu.memory_space<vmem>> -> memref<72xi32, #tpu.memory_space<vmem>>
        %dma_start3A_132 = arith.constant 0 : i32
        %dma_start3A_133 = arith.constant 0 : i32
        %dma_start3A_134 = tpu.memref_slice %arg2[%dma_start3A_132, %dma_start3A_133] : memref<10008x128xf32, #tpu.memory_space<hbm>> -> memref<10008x128xf32, #tpu.memory_space<hbm>>
        tpu.enqueue_indirect_dma source(%dma_start3A_134 : memref<10008x128xf32, #tpu.memory_space<hbm>>) target(%dma_start3A_130 : memref<72x128xf32, #tpu.memory_space<vmem>>) offsets(%dma_start3A_131 : memref<72xi32, #tpu.memory_space<vmem>>) semaphore(%arg12 : memref<!tpu.dma_semaphore, #tpu.memory_space<semaphore_mem>>)
      } else {
      }
    }
    %barrier3A_70 = arith.constant 0 : index
    tpu.barrier barrier_id(%barrier3A_70)
    %lt3A_71 = arith.constant 15 : i32
    %lt3A_72 = arith.cmpi slt, %arg1, %lt3A_71 : i32
    %convert_element_type3A_73 = arith.extui %lt3A_72 : i1 to i32
    %cond3A_74 = arith.constant 0 : i32
    %cond3A_75 = arith.cmpi ne, %convert_element_type3A_73, %cond3A_74 : i32
    scf.if %cond3A_75 {
      %mul3A_81 = arith.constant 10000 : i32
      %mul3A_82 = arith.muli %arg0, %mul3A_81 : i32
      %add3A_83 = arith.addi %mul3A_82, %mul3A_0 : i32
      "tpu.region"() ({
        %run_scoped3A = tpu.sem_alloc : memref<!tpu.dma_semaphore, #tpu.memory_space<semaphore_mem>>
        %dma_start3A_84 = arith.constant 0 : i32
        %dma_start3A_85 = tpu.memref_slice %arg6[%add3A_83, %dma_start3A_84] : memref<20000x128xf32, #tpu.memory_space<hbm>> -> memref<624x128xf32, #tpu.memory_space<hbm>>
        %dma_start3A_86 = arith.constant 0 : i32
        %dma_start3A_87 = tpu.memref_slice %arg10[%mul3A_0, %dma_start3A_86] : memref<10000x128xf32, #tpu.memory_space<vmem_shared>> -> memref<624x128xf32, #tpu.memory_space<vmem_shared>>
        tpu.enqueue_dma source(%dma_start3A_87 : memref<624x128xf32, #tpu.memory_space<vmem_shared>>) target(%dma_start3A_85 : memref<624x128xf32, #tpu.memory_space<hbm>>) target_semaphore(%run_scoped3A : memref<!tpu.dma_semaphore, #tpu.memory_space<semaphore_mem>>)
        %dma_wait3A = arith.constant 0 : i32
        %dma_wait3A_88 = tpu.memref_slice %arg6[%add3A_83, %dma_wait3A] : memref<20000x128xf32, #tpu.memory_space<hbm>> -> memref<624x128xf32, #tpu.memory_space<hbm>>
        %dma_wait3A_89 = arith.constant 0 : i32
        %dma_wait3A_90 = tpu.memref_slice %arg10[%mul3A_0, %dma_wait3A_89] : memref<10000x128xf32, #tpu.memory_space<vmem_shared>> -> memref<624x128xf32, #tpu.memory_space<vmem_shared>>
        tpu.wait_dma2 semaphore(%run_scoped3A : memref<!tpu.dma_semaphore, #tpu.memory_space<semaphore_mem>>) src(%dma_wait3A_90 : memref<624x128xf32, #tpu.memory_space<vmem_shared>>) dst(%dma_wait3A_88 : memref<624x128xf32, #tpu.memory_space<hbm>>)
        tpu.yield
      }) : () -> ()
    } else {
    }
    %eq3A_76 = arith.constant 15 : i32
    %eq3A_77 = arith.cmpi eq, %arg1, %eq3A_76 : i32
    %convert_element_type3A_78 = arith.extui %eq3A_77 : i1 to i32
    %cond3A_79 = arith.constant 0 : i32
    %cond3A_80 = arith.cmpi ne, %convert_element_type3A_78, %cond3A_79 : i32
    scf.if %cond3A_80 {
      %mul3A_81 = arith.constant 10000 : i32
      %mul3A_82 = arith.muli %arg0, %mul3A_81 : i32
      %add3A_83 = arith.constant 9360 : i32
      %add3A_84 = arith.addi %mul3A_82, %add3A_83 : i32
      "tpu.region"() ({
        %run_scoped3A = tpu.sem_alloc : memref<!tpu.dma_semaphore, #tpu.memory_space<semaphore_mem>>
        %dma_start3A_85 = arith.constant 0 : i32
        %dma_start3A_86 = tpu.memref_slice %arg6[%add3A_84, %dma_start3A_85] : memref<20000x128xf32, #tpu.memory_space<hbm>> -> memref<640x128xf32, #tpu.memory_space<hbm>>
        %dma_start3A_87 = arith.constant 9360 : i32
        %dma_start3A_88 = arith.constant 0 : i32
        %dma_start3A_89 = tpu.memref_slice %arg10[%dma_start3A_87, %dma_start3A_88] : memref<10000x128xf32, #tpu.memory_space<vmem_shared>> -> memref<640x128xf32, #tpu.memory_space<vmem_shared>>
        tpu.enqueue_dma source(%dma_start3A_89 : memref<640x128xf32, #tpu.memory_space<vmem_shared>>) target(%dma_start3A_86 : memref<640x128xf32, #tpu.memory_space<hbm>>) target_semaphore(%run_scoped3A : memref<!tpu.dma_semaphore, #tpu.memory_space<semaphore_mem>>)
        %dma_wait3A = arith.constant 0 : i32
        %dma_wait3A_90 = tpu.memref_slice %arg6[%add3A_84, %dma_wait3A] : memref<20000x128xf32, #tpu.memory_space<hbm>> -> memref<640x128xf32, #tpu.memory_space<hbm>>
        %dma_wait3A_91 = arith.constant 9360 : i32
        %dma_wait3A_92 = arith.constant 0 : i32
        %dma_wait3A_93 = tpu.memref_slice %arg10[%dma_wait3A_91, %dma_wait3A_92] : memref<10000x128xf32, #tpu.memory_space<vmem_shared>> -> memref<640x128xf32, #tpu.memory_space<vmem_shared>>
        tpu.wait_dma2 semaphore(%run_scoped3A : memref<!tpu.dma_semaphore, #tpu.memory_space<semaphore_mem>>) src(%dma_wait3A_93 : memref<640x128xf32, #tpu.memory_space<vmem_shared>>) dst(%dma_wait3A_90 : memref<640x128xf32, #tpu.memory_space<hbm>>)
        tpu.yield
      }) : () -> ()
    } else {
    }
    return
  }
}

module attributes {stable_mosaic.version = 14 : i64} {
  func.func @body(%arg0: memref<10000x128xf32, #tpu.memory_space<vmem>>, %arg1: memref<20000x128xf32, #tpu.memory_space<vmem>>, %arg2: memref<128x128xf32, #tpu.memory_space<vmem>>, %arg3: memref<128x128xf32, #tpu.memory_space<vmem>>, %arg4: memref<1x128xf32, #tpu.memory_space<vmem>>, %arg5: memref<1x128xf32, #tpu.memory_space<vmem>>, %arg6: memref<1x128xf32, #tpu.memory_space<vmem>>, %arg7: memref<128x256xf32, #tpu.memory_space<vmem>>, %arg8: memref<1x256xf32, #tpu.memory_space<vmem>>, %arg9: memref<256x128xf32, #tpu.memory_space<vmem>>, %arg10: memref<1x128xf32, #tpu.memory_space<vmem>>, %arg11: memref<1x128xf32, #tpu.memory_space<vmem>>, %arg12: memref<1x128xf32, #tpu.memory_space<vmem>>, %arg13: memref<10000x128xf32, #tpu.memory_space<vmem>>) attributes {dimension_semantics = [], scalar_prefetch = 0 : i64, scratch_operands = 0 : i64, tpu.core_type = #tpu.core_type<tc>} {
    %get3A = arith.constant 0 : index
    %get3A_0 = arith.constant 0 : index
    %get3A_1 = vector.load %arg0[%get3A, %get3A_0] : memref<10000x128xf32, #tpu.memory_space<vmem>>, vector<10000x128xf32>
    %get3A_2 = arith.constant 0 : index
    %get3A_3 = arith.constant 0 : index
    %get3A_4 = vector.load %arg1[%get3A_2, %get3A_3] : memref<20000x128xf32, #tpu.memory_space<vmem>>, vector<10000x128xf32>
    %get3A_5 = arith.constant 10000 : index
    %get3A_6 = arith.constant 0 : index
    %get3A_7 = vector.load %arg1[%get3A_5, %get3A_6] : memref<20000x128xf32, #tpu.memory_space<vmem>>, vector<10000x128xf32>
    %add3A = arith.addf %get3A_4, %get3A_7 : vector<10000x128xf32>
    %get3A_8 = arith.constant 0 : index
    %get3A_9 = arith.constant 0 : index
    %get3A_10 = vector.load %arg2[%get3A_8, %get3A_9] : memref<128x128xf32, #tpu.memory_space<vmem>>, vector<128x128xf32>
    %dot_general3A = arith.constant dense<0.000000e+00> : vector<10000x128xf32>
    %dot_general3A_11 = tpu.matmul %get3A_1, %get3A_10, %dot_general3A {dimension_numbers = #tpu.dot_dimension_numbers<[1], [0], [0], [1], [0, 0, 1, 1], [], []>, transpose_lhs_hint = false} : vector<10000x128xf32>, vector<128x128xf32>, vector<10000x128xf32> -> vector<10000x128xf32>
    %get3A_12 = arith.constant 0 : index
    %get3A_13 = arith.constant 0 : index
    %get3A_14 = vector.load %arg3[%get3A_12, %get3A_13] : memref<128x128xf32, #tpu.memory_space<vmem>>, vector<128x128xf32>
    %dot_general3A_15 = arith.constant dense<0.000000e+00> : vector<10000x128xf32>
    %dot_general3A_16 = tpu.matmul %add3A, %get3A_14, %dot_general3A_15 {dimension_numbers = #tpu.dot_dimension_numbers<[1], [0], [0], [1], [0, 0, 1, 1], [], []>, transpose_lhs_hint = false} : vector<10000x128xf32>, vector<128x128xf32>, vector<10000x128xf32> -> vector<10000x128xf32>
    %add3A_17 = arith.addf %dot_general3A_11, %dot_general3A_16 : vector<10000x128xf32>
    %get3A_18 = arith.constant 0 : index
    %get3A_19 = arith.constant 0 : index
    %get3A_20 = vector.load %arg4[%get3A_18, %get3A_19] : memref<1x128xf32, #tpu.memory_space<vmem>>, vector<1x128xf32>
    %add3A_21 = vector.broadcast %get3A_20 : vector<1x128xf32> to vector<10000x128xf32>
    %add3A_22 = arith.addf %add3A_17, %add3A_21 : vector<10000x128xf32>
    %reduce_sum3A = arith.constant dense<0.000000e+00> : vector<128xf32>
    %reduce_sum3A_23 = vector.multi_reduction <add>, %add3A_22, %reduce_sum3A [0] : vector<10000x128xf32> to vector<128xf32>
    %broadcast_in_dim3A = vector.shape_cast %reduce_sum3A_23 : vector<128xf32> to vector<1x128xf32>
    %div3A = arith.constant 1.000000e+04 : f32
    %div3A_24 = vector.broadcast %div3A : f32 to vector<1x128xf32>
    %div3A_25 = arith.divf %broadcast_in_dim3A, %div3A_24 : vector<1x128xf32>
    %sub3A = vector.broadcast %div3A_25 : vector<1x128xf32> to vector<10000x128xf32>
    %sub3A_26 = arith.subf %add3A_22, %sub3A : vector<10000x128xf32>
    %mul3A = arith.mulf %sub3A_26, %sub3A_26 : vector<10000x128xf32>
    %reduce_sum3A_27 = arith.constant dense<0.000000e+00> : vector<128xf32>
    %reduce_sum3A_28 = vector.multi_reduction <add>, %mul3A, %reduce_sum3A_27 [0] : vector<10000x128xf32> to vector<128xf32>
    %broadcast_in_dim3A_29 = vector.shape_cast %reduce_sum3A_28 : vector<128xf32> to vector<1x128xf32>
    %div3A_30 = arith.constant 1.000000e+04 : f32
    %div3A_31 = vector.broadcast %div3A_30 : f32 to vector<1x128xf32>
    %div3A_32 = arith.divf %broadcast_in_dim3A_29, %div3A_31 : vector<1x128xf32>
    %add3A_33 = arith.constant 9.99999974E-6 : f32
    %add3A_34 = vector.broadcast %add3A_33 : f32 to vector<1x128xf32>
    %add3A_35 = arith.addf %div3A_32, %add3A_34 : vector<1x128xf32>
    %rsqrt3A = math.rsqrt %add3A_35 : vector<1x128xf32>
    %mul3A_36 = vector.broadcast %rsqrt3A : vector<1x128xf32> to vector<10000x128xf32>
    %mul3A_37 = arith.mulf %sub3A_26, %mul3A_36 : vector<10000x128xf32>
    %get3A_38 = arith.constant 0 : index
    %get3A_39 = arith.constant 0 : index
    %get3A_40 = vector.load %arg5[%get3A_38, %get3A_39] : memref<1x128xf32, #tpu.memory_space<vmem>>, vector<1x128xf32>
    %mul3A_41 = vector.broadcast %get3A_40 : vector<1x128xf32> to vector<10000x128xf32>
    %mul3A_42 = arith.mulf %mul3A_37, %mul3A_41 : vector<10000x128xf32>
    %get3A_43 = arith.constant 0 : index
    %get3A_44 = arith.constant 0 : index
    %get3A_45 = vector.load %arg6[%get3A_43, %get3A_44] : memref<1x128xf32, #tpu.memory_space<vmem>>, vector<1x128xf32>
    %add3A_46 = vector.broadcast %get3A_45 : vector<1x128xf32> to vector<10000x128xf32>
    %add3A_47 = arith.addf %mul3A_42, %add3A_46 : vector<10000x128xf32>
    %max3A = arith.constant 0.000000e+00 : f32
    %max3A_48 = vector.broadcast %max3A : f32 to vector<10000x128xf32>
    %max3A_49 = arith.maximumf %add3A_47, %max3A_48 : vector<10000x128xf32>
    %add3A_50 = arith.addf %max3A_49, %get3A_1 : vector<10000x128xf32>
    %get3A_51 = arith.constant 0 : index
    %get3A_52 = arith.constant 0 : index
    %get3A_53 = vector.load %arg7[%get3A_51, %get3A_52] : memref<128x256xf32, #tpu.memory_space<vmem>>, vector<128x256xf32>
    %dot_general3A_54 = arith.constant dense<0.000000e+00> : vector<10000x256xf32>
    %dot_general3A_55 = tpu.matmul %add3A_50, %get3A_53, %dot_general3A_54 {dimension_numbers = #tpu.dot_dimension_numbers<[1], [0], [0], [1], [0, 0, 1, 1], [], []>, transpose_lhs_hint = false} : vector<10000x128xf32>, vector<128x256xf32>, vector<10000x256xf32> -> vector<10000x256xf32>
    %get3A_56 = arith.constant 0 : index
    %get3A_57 = arith.constant 0 : index
    %get3A_58 = vector.load %arg8[%get3A_56, %get3A_57] : memref<1x256xf32, #tpu.memory_space<vmem>>, vector<1x256xf32>
    %add3A_59 = vector.broadcast %get3A_58 : vector<1x256xf32> to vector<10000x256xf32>
    %add3A_60 = arith.addf %dot_general3A_55, %add3A_59 : vector<10000x256xf32>
    %max3A_61 = arith.constant 0.000000e+00 : f32
    %max3A_62 = vector.broadcast %max3A_61 : f32 to vector<10000x256xf32>
    %max3A_63 = arith.maximumf %add3A_60, %max3A_62 : vector<10000x256xf32>
    %get3A_64 = arith.constant 0 : index
    %get3A_65 = arith.constant 0 : index
    %get3A_66 = vector.load %arg9[%get3A_64, %get3A_65] : memref<256x128xf32, #tpu.memory_space<vmem>>, vector<256x128xf32>
    %dot_general3A_67 = arith.constant dense<0.000000e+00> : vector<10000x128xf32>
    %dot_general3A_68 = tpu.matmul %max3A_63, %get3A_66, %dot_general3A_67 {dimension_numbers = #tpu.dot_dimension_numbers<[1], [0], [0], [1], [0, 0, 1, 1], [], []>, transpose_lhs_hint = false} : vector<10000x256xf32>, vector<256x128xf32>, vector<10000x128xf32> -> vector<10000x128xf32>
    %get3A_69 = arith.constant 0 : index
    %get3A_70 = arith.constant 0 : index
    %get3A_71 = vector.load %arg10[%get3A_69, %get3A_70] : memref<1x128xf32, #tpu.memory_space<vmem>>, vector<1x128xf32>
    %add3A_72 = vector.broadcast %get3A_71 : vector<1x128xf32> to vector<10000x128xf32>
    %add3A_73 = arith.addf %dot_general3A_68, %add3A_72 : vector<10000x128xf32>
    %add3A_74 = arith.addf %add3A_73, %add3A_50 : vector<10000x128xf32>
    %reduce_sum3A_75 = arith.constant dense<0.000000e+00> : vector<128xf32>
    %reduce_sum3A_76 = vector.multi_reduction <add>, %add3A_74, %reduce_sum3A_75 [0] : vector<10000x128xf32> to vector<128xf32>
    %broadcast_in_dim3A_77 = vector.shape_cast %reduce_sum3A_76 : vector<128xf32> to vector<1x128xf32>
    %div3A_78 = arith.constant 1.000000e+04 : f32
    %div3A_79 = vector.broadcast %div3A_78 : f32 to vector<1x128xf32>
    %div3A_80 = arith.divf %broadcast_in_dim3A_77, %div3A_79 : vector<1x128xf32>
    %sub3A_81 = vector.broadcast %div3A_80 : vector<1x128xf32> to vector<10000x128xf32>
    %sub3A_82 = arith.subf %add3A_74, %sub3A_81 : vector<10000x128xf32>
    %mul3A_83 = arith.mulf %sub3A_82, %sub3A_82 : vector<10000x128xf32>
    %reduce_sum3A_84 = arith.constant dense<0.000000e+00> : vector<128xf32>
    %reduce_sum3A_85 = vector.multi_reduction <add>, %mul3A_83, %reduce_sum3A_84 [0] : vector<10000x128xf32> to vector<128xf32>
    %broadcast_in_dim3A_86 = vector.shape_cast %reduce_sum3A_85 : vector<128xf32> to vector<1x128xf32>
    %div3A_87 = arith.constant 1.000000e+04 : f32
    %div3A_88 = vector.broadcast %div3A_87 : f32 to vector<1x128xf32>
    %div3A_89 = arith.divf %broadcast_in_dim3A_86, %div3A_88 : vector<1x128xf32>
    %add3A_90 = arith.constant 9.99999974E-6 : f32
    %add3A_91 = vector.broadcast %add3A_90 : f32 to vector<1x128xf32>
    %add3A_92 = arith.addf %div3A_89, %add3A_91 : vector<1x128xf32>
    %rsqrt3A_93 = math.rsqrt %add3A_92 : vector<1x128xf32>
    %mul3A_94 = vector.broadcast %rsqrt3A_93 : vector<1x128xf32> to vector<10000x128xf32>
    %mul3A_95 = arith.mulf %sub3A_82, %mul3A_94 : vector<10000x128xf32>
    %get3A_96 = arith.constant 0 : index
    %get3A_97 = arith.constant 0 : index
    %get3A_98 = vector.load %arg11[%get3A_96, %get3A_97] : memref<1x128xf32, #tpu.memory_space<vmem>>, vector<1x128xf32>
    %mul3A_99 = vector.broadcast %get3A_98 : vector<1x128xf32> to vector<10000x128xf32>
    %mul3A_100 = arith.mulf %mul3A_95, %mul3A_99 : vector<10000x128xf32>
    %get3A_101 = arith.constant 0 : index
    %get3A_102 = arith.constant 0 : index
    %get3A_103 = vector.load %arg12[%get3A_101, %get3A_102] : memref<1x128xf32, #tpu.memory_space<vmem>>, vector<1x128xf32>
    %add3A_104 = vector.broadcast %get3A_103 : vector<1x128xf32> to vector<10000x128xf32>
    %add3A_105 = arith.addf %mul3A_100, %add3A_104 : vector<10000x128xf32>
    %swap3A = arith.constant 0 : index
    %swap3A_106 = arith.constant 0 : index
    %swap3A_107 = vector.load %arg13[%swap3A, %swap3A_106] : memref<10000x128xf32, #tpu.memory_space<vmem>>, vector<10000x128xf32>
    tpu.vector_store %arg13[%swap3A, %swap3A_106], %add3A_105 {strides = array<i32>} : memref<10000x128xf32, #tpu.memory_space<vmem>>, vector<10000x128xf32>,
    return
  }
}

</mosaic_0001>

<sc_bundles>
// kernel: kernel.4.cloned.1.call-start
scs
__scs_entry_jumppad:
0x0: {  	(pc) =	sbr.rel $0x88, $3  }
0x1: {  	(tag) =	ssettag $0x0;
	lr =	simm.s32 $0x1  }
0x2: {  	[smem:$0x3F94] =	sst lr;
	_ =	strace $0xD0000000  }
0x3: {  	_ = 	snop  }
0x4: {  	_ = 	snop  }
0x5: {  	_ = 	snop  }
0x6: {  	_ = 	snop  }
0x7: {  	_ = 	snop  }
__scs_overlays_trampoline_lowered:
0x8: {  	[smem:$0x3FA3] =	sst s0  }
0x9: {  	[smem:$0x3FA4] =	sst s1  }
0xa: {  	[smem:$0x3FA5] =	sst s2  }
0xb: {  	[smem:$0x3FA6] =	sst s3  }
0xc: {  	[smem:$0x3FA7] =	sst s4  }
0xd: {  	[smem:$0x3FA8] =	sst s5  }
0xe: {  	[smem:$0x3FA9] =	sst s6  }
0xf: {  	[smem:$0x3FAA] =	sst s7  }
0x10: {  	[smem:$0x3FAB] =	sst s8  }
0x11: {  	[smem:$0x3FAC] =	sst s9;
	s0 =	simm.s32 @!p0 $0x0  }
0x12: {  	s1 =	sld [smem:$0x3F92];
	s0 =	simm.s32 @p0 $0x1  }
0x13: {  	[smem:$0x3FAD] =	sst s0;
	s0 =	simm.s32 @!p1 $0x0  }
0x14: {  	s2 =	sld [smem:$0x3F91];
	s0 =	simm.s32 @p1 $0x1  }
0x15: {  	[smem:$0x3FAE] =	sst s0;
	s0 =	simm.s32 @!p2 $0x0  }
0x16: {  	s3 =	sld [smem:$0x3FDB];
	s0 =	simm.s32 @p2 $0x1  }
0x17: {  	s4 =	simm.s32 $0x1BF5;
	[smem:$0x3FB0] =	sst s0  }
0x18: {  	s0 =	sld [smem:$0x3F93];
	_ =	swait.ge [sflag:s4], $0x0  }
0x19: {  	s7 =	sld [smem:$0x3F94]  }
0x1a: {  	s8 =	sadd.s32 $0xFFFFE003, lr  }
0x1b: {  	s9 =	sadd.s32 $0xFFFFFEF7, lr;
	s5 =	simm.s32 $0xFFFFFFFF;
	p2 =	slt.u32 s8, $0xFFFFF086  }
0x1c: {  	p1 =	slt.u32 s9, $0xF7A;
	s5 =	simm.s32 @!p2 $0x0  }
0x1d: {  	s5 =	simm.s32 @p1 $0x1;
	p0 =	seq.s32 s7, s2  }
0x1e: {  	s7 =	smul.u32 @!p0 $0xF7A, s2;
	p2 =	seq.s32 @!p0 s5, $0x0  }
0x1f: {  	s9 =	smul.u32 $0xF7A, s1;
	s8 =	simm.s32 @!p0 $0x1BF5;
	p2 =	por !p2, p0  }
0x20: {  	[sflag:s8] =	ssyncset.s32 @!p0 $0xFFFFF086;
	s6 =	sadd.s32 @!p0 s3, s7;
	s7 =	simm.s32 @!p0 $0x108  }
0x21: {  	s3 =	sadd.s32 s3, s9;
	s6 =	sadd.s32 @!p0 $0x88, s6;
	s7 =	simm.s32 @p2 $0x1082  }
0x22: {  	[simem:s7], [sflag:s8] =	dma.local @!p0 [hbm:s6], $0xF7A  }
0x23: {  	s9 =	sor.u32 $0xD0000000, s2;
	s6 =	simm.s32 $0x108;
	_ =	swait.ge @!p0 [sflag:s8], $0x0  }
0x24: {  	s3 =	sadd.s32 $0x88, s3;
	s6 =	simm.s32 @!p1 $0x1082;
	[sflag:s4] =	ssyncset.s32 $0xFFFFF086  }
0x25: {  	[simem:s6], [sflag:s4] =	dma.local [hbm:s3], $0xF7A  }
0x26: {  	[smem:$0x3F94] =	sst s1;
	(tag) =	ssettag s2;
	_ =	strace s9  }
0x27: {  	s1 =	sld [smem:$0x3FA4]  }
0x28: {  	s2 =	sld [smem:$0x3FA5]  }
0x29: {  	s4 =	sld [smem:$0x3FA7]  }
0x2a: {  	p0 =	seq.s32 s5, $0x0;
	s5 =	sld [smem:$0x3FA8]  }
0x2b: {  	s6 =	sld [smem:$0x3FA9]  }
0x2c: {  	s7 =	sld [smem:$0x3FAA]  }
0x2d: {  	s3 =	simm.s32 $0x108;
	s8 =	sld [smem:$0x3FAB]  }
0x2e: {  	s3 =	simm.s32 @!p0 $0x1082;
	s9 =	sld [smem:$0x3FAC]  }
0x2f: {  	lr =	sadd.s32 s0, s3;
	s0 =	sld [smem:$0x3FA3]  }
0x30: {  	s3 =	sld [smem:$0x3FA6]  }
0x31: {  	[smem:$0x3FAF] =	sst s10  }
0x32: {  	s10 =	sld [smem:$0x3FAD];
	_ =	sdelay $0x3  }
0x33: {  	p0 =	seq.s32 s10, $0x1;
	s10 =	sld [smem:$0x3FAF];
	_ =	sdelay $0x3  }
0x34: {  	[smem:$0x3FAF] =	sst s10  }
0x35: {  	s10 =	sld [smem:$0x3FAE];
	_ =	sdelay $0x3  }
0x36: {  	p1 =	seq.s32 s10, $0x1;
	s10 =	sld [smem:$0x3FAF];
	_ =	sdelay $0x3  }
0x37: {  	[smem:$0x3FAF] =	sst s10  }
0x38: {  	s10 =	sld [smem:$0x3FB0]  }
0x39: {  	_ = 	snop;
	(pc) =	sbr.ind lr, $3  }
0x3a: {  	_ = 	snop  }
0x3b: {  	_ = 	snop  }
0x3c: {  	p2 =	seq.s32 s10, $0x1;
	s10 =	sld [smem:$0x3FAF]  }
0x3d: {  	_ =	shalt  }
0x3e: {  	_ =	shalt  }
0x3f: {  	_ =	shalt  }
0x40: {  	_ =	shalt  }
0x41: {  	_ =	shalt  }
0x42: {  	_ =	shalt  }
0x43: {  	_ =	shalt  }
0x44: {  	_ =	shalt  }
0x45: {  	_ =	shalt  }
0x46: {  	_ =	shalt  }
0x47: {  	_ =	shalt  }
0x48: {  	_ =	shalt  }
0x49: {  	_ =	shalt  }
0x4a: {  	_ =	shalt  }
0x4b: {  	_ =	shalt  }
0x4c: {  	_ =	shalt  }
0x4d: {  	_ =	shalt  }
0x4e: {  	_ =	shalt  }
0x4f: {  	_ =	shalt  }
0x50: {  	_ =	shalt  }
0x51: {  	_ =	shalt  }
0x52: {  	_ =	shalt  }
0x53: {  	_ =	shalt  }
0x54: {  	_ =	shalt  }
0x55: {  	_ =	shalt  }
0x56: {  	_ =	shalt  }
0x57: {  	_ =	shalt  }
0x58: {  	_ =	shalt  }
0x59: {  	_ =	shalt  }
0x5a: {  	_ =	shalt  }
0x5b: {  	_ =	shalt  }
0x5c: {  	_ =	shalt  }
0x5d: {  	_ =	shalt  }
0x5e: {  	_ =	shalt  }
0x5f: {  	_ =	shalt  }
0x60: {  	_ =	shalt  }
0x61: {  	_ =	shalt  }
0x62: {  	_ =	shalt  }
0x63: {  	_ =	shalt  }
0x64: {  	_ =	shalt  }
0x65: {  	_ =	shalt  }
0x66: {  	_ =	shalt  }
0x67: {  	_ =	shalt  }
0x68: {  	_ =	shalt  }
0x69: {  	_ =	shalt  }
0x6a: {  	_ =	shalt  }
0x6b: {  	_ =	shalt  }
0x6c: {  	_ =	shalt  }
0x6d: {  	_ =	shalt  }
0x6e: {  	_ =	shalt  }
0x6f: {  	_ =	shalt  }
0x70: {  	_ =	shalt  }
0x71: {  	_ =	shalt  }
0x72: {  	_ =	shalt  }
0x73: {  	_ =	shalt  }
0x74: {  	_ =	shalt  }
0x75: {  	_ =	shalt  }
0x76: {  	_ =	shalt  }
0x77: {  	_ =	shalt  }
0x78: {  	_ =	shalt  }
0x79: {  	_ =	shalt  }
0x7a: {  	_ =	shalt  }
0x7b: {  	_ =	shalt  }
0x7c: {  	_ =	shalt  }
0x7d: {  	_ =	shalt  }
0x7e: {  	_ =	shalt  }
0x7f: {  	_ =	shalt  }
0x80: {  	_ =	shalt  }
0x81: {  	_ =	shalt  }
0x82: {  	_ =	shalt  }
0x83: {  	_ =	shalt  }
0x84: {  	_ =	shalt  }
0x85: {  	_ =	shalt  }
0x86: {  	_ =	shalt  }
0x87: {  	_ =	shalt  }
.Lfunc_end0:
.L_simem_size_0:
called_computation_lowered:
.L_overlay_start_0:
0x88: {  	s2 =	sld [smem:$0x3FD9]  }
0x89: {  	s3 =	sld [smem:$0x3FFE];
	_ =	sdelay $0x1  }
0x8a: {  	s1 =	srdreg.scid  }
0x8b: {  	s0 =	sand.u32 $0x1, s1  }
0x8c: {  	s17 =	sshll.u32 s0, $0xA;
	s2 =	sadd.s32 s3, s2  }
0x8d: {  	s2 =	sadd.s32 s2, s17  }
0x8e: {  	[smem:$0x3FBB] =	sst s2  }
0x8f: {  	_ = 	snop  }
0x90: {  	s2 =	sld [smem:$0x3FD0];
	(tm) =	ssettm $0x1  }
0x91: {  	s18 =	sld [smem:$0x3FFB];
	_ =	sdelay $0x3  }
0x92: {  	_ =	strace s18  }
0x93: {  	s3 =	sld [smem:$0x3FFC];
	_ =	sdelay $0x3  }
0x94: {  	_ =	strace s3  }
0x95: {  	s3 =	sld [smem:$0x3FFD];
	_ =	sdelay $0x3  }
0x96: {  	_ =	strace s3  }
0x97: {  	_ =	strace $0x8FFFFFFF  }
0x98: {  	s19 =	sld [smem:$0x3FDB];
	_ =	sdelay $0x1  }
0x99: {  	s4 =	simm.s32 $_scs_section_size  }
0x9a: {  	s5 =	simm.s32 $_size__tile_overlayer_lowered;
	s6 =	simm.s32 $_tile_overlayer_lowered  }
0x9b: {  	s22 =	simm.s32 $0x1BFF;
	s21 =	sshll.u32 s6, $0x1;
	s3 =	sadd.s32 s4, s19  }
0x9c: {  	s7 =	simm.s32 $0x0;
	s20 =	sshll.u32 s5, $0x1;
	s5 =	sadd.s32 s21, s3  }
0x9d: {  	[timem:s7], [sflag:s22] =	dma.local [hbm:s5], s20  }
0x9e: {  	_ =	swait.ge [sflag:s22], s20  }
0x9f: {  	s4 =	ssub.s32 $0x0, s20;
	[sflag:s22] =	ssyncset.done $0x0  }
0xa0: {  	[sflag:s22] =	ssyncadd.s32 s4;
	_ =	sdelay $0x1  }
0xa1: {  	s23 =	simm.s32 $0x1B8B  }
0xa2: {  	_ =	swait.ge [sflag:s23], $0x1  }
0xa3: {  	[sflag:s23] =	ssyncset.done $0x0  }
0xa4: {  	s25 =	simm.s32 $0x1B8E;
	s24 =	sld [smem:$0x3FFE];
	[sflag:s23] =	ssyncadd.s32 $0xFFFFFFFF  }
0xa5: {  	s26 =	simm.s32 $execute0_lowered;
	[smem:$0x3FD2] =	sst s25  }
0xa6: {  	s5 =	sshll.u32 s26, $0x1;
	_ =	strace $0x80000046;
	[dreg:$0x1] =	wrdreg $0xFFFFFFFF  }
0xa7: {  	s28 =	simm.s32 $_size_execute0_lowered;
	s3 =	sadd.s32 s3, s5;
	[dreg:$0x0] =	wrdreg $0x0  }
0xa8: {  	s5 =	sshll.u32 s28, $0x1;
	[dreg:$0x2] =	wrdreg s3  }
0xa9: {  	[dreg:$0x3] =	wrdreg s5  }
0xaa: {  	[dreg:$0x4] =	wrdreg $0xC0  }
0xab: {  	_ =	task [dreg:s7], $0x5FFFF  }
0xac: {  	[dreg:$0x1] =	wrdreg $0xFFFFFFFF  }
0xad: {  	[dreg:$0x0] =	wrdreg $0x60  }
0xae: {  	[dreg:$0x2] =	wrdreg s24  }
0xaf: {  	[dreg:$0x3] =	wrdreg s2  }
0xb0: {  	[dreg:$0x4] =	wrdreg $0xC5000  }
0xb1: {  	[dreg:$0x5] =	wrdreg $0x9  }
0xb2: {  	_ =	task.clear_ibuf [dreg:s7], $0x6FFFF;
	_ =	strace $0x90000046  }
0xb3: {  	s29 =	simm.s32 $0x9;
	_ =	strace $0x80000048  }
0xb4: {  	_ =	swait.ge [sflag:s29], $0x1  }
0xb5: {  	[sflag:s29] =	ssyncadd.s32 $0xFFFFFFFF  }
0xb6: {  	_ =	strace $0x90000048  }
0xb7: {  	_ =	sfence  }
0xb8: {  	s30 =	sld [smem:$0x0];
	_ =	sdelay $0x2  }
0xb9: {  	s31 =	sshll.u32 s1, $0xD;
	s1 =	sshrl.u32 s1, $0x2  }
0xba: {  	s3 =	sand.u32 $0x4000, s31;
	s1 =	sadd.s32 s1, s30  }
0xbb: {  	s0 =	sor.u32 s3, s0;
	s1 =	sshll.u32 s1, $0x11  }
0xbc: {  	s0 =	sor.u32 s1, s0  }
0xbd: {  	s0 =	sadd.s32 $0x8F2B, s0  }
0xbe: {  	[sflag:s0] =	ssyncadd.remote.s32 $0x1  }
0xbf: {  	_ =	sfence.sel $0xFFFF  }
0xc0: {  	[dreg:$0x0] =	wrdreg $0xFFFFFFFF;
	(pc) =	sbr.abs _section_cstart, $3  }
0xc1: {  	[dreg:$0x1] =	wrdreg $0xFFFFFFFF  }
0xc2: {  	_ =	task.clear_ibuf [dreg:s7], $0x2FFFF;
	_ =	strace $0x9FFFFFFF  }
0xc3: {  	(tm) =	ssettm $0x7FFFFFFF  }
tec
execute0_lowered:
.L_overlay_start_1:
0x0: {  	(tag) =	ssettag $0x1  }
0x1: {  	s0 =	rddreg [dreg:$0x0]  }
0x2: {  	s2 =	rddreg [dreg:$0x1]  }
0x3: {  	s1 =	rddreg [dreg:$0x2]  }
0x4: {  	s3 =	simm.s32 $0x0;
	s23 =	srdreg.scid;
	s17 =	stileid.u32  }
0x5: {  	s19 =	simm.s32 $0x48;
	s20 =	simm.s32 $0x7D00;
	s5 =	smul.u32 $0x118, s17  }
0x6: {  	s21 =	simm.s32 $0xA100;
	s22 =	simm.s32 $0x1;
	s12 =	smul.u32 $0x2700, s17  }
0x7: {  	[smem:$0x7FF] =	sst s3;
	s4 =	sadd.s32 $0x1D200, s0;
	s24 =	smul.u32 $0x4E000, s17  }
0x8: {  	s6 =	sadd.s32 $0x13400, s0;
	s3 =	sand.u32 $0x1, s23;
	s13 =	smul.u32 $0x9D8, s17  }
0x9: {  	s7 =	sadd.s32 $0x1C00, s0;
	s0 =	sadd.s32 $0x44400, s0;
	s14 =	smul.u32 $0x1180, s17  }
0xa: {  	s16 =	sadd.s32 $0x124800, s1;
	s23 =	simm.s32 $0x3;
	s9 =	smul.u32 $0x78, s3  }
0xb: {  	_ =	strace $0x80000047;
	s8 =	ssub.s32 $0x2, s3;
	s26 =	smul.u32 $0x27100, s3  }
0xc: {  	p0 =	seq.s32 s3, $0x0;
	s15 =	smul.u32 $0x138800, s3;
	p1 =	sne.s32 s3, $0x0  }
0xd: {  	s10 =	sshrl.u32 s8, $0x1;
	s25 =	sadd.s32 s2, s12;
	s2 =	sadd.s32 $0x24900, s2  }
0xe: {  	s29 =	sadd.s32 s7, s14;
	s8 =	ssub.s32 s8, s10;
	[dreg:$0x4] =	wrdreg s25  }
0xf: {  	s9 =	sadd.s32 s9, s5;
	s5 =	simm.s32 $0x78;
	[dreg:$0x5] =	wrdreg s2  }
0x10: {  	s10 =	sshrl.u32 s24, $0x2;
	[dreg:$0x9] =	wrdreg s29;
	s2 =	sadd.s32 s12, s26  }
0x11: {  	s31 =	sshrl.u32 s15, $0x3;
	s24 =	simm.s32 $0x2;
	s25 =	simm.s32 $0x0  }
0x12: {  	s11 =	smul.u32 $0x9, s9;
	s5 =	simm.s32 @!p0 $0xA0;
	s18 =	sadd.s32 s10, s1  }
0x13: {  	s9 =	sshll.u32 s9, $0x4;
	s12 =	sadd.s32 s0, s2;
	s0 =	sadd.s32 s0, s31  }
0x14: {  	p0 =	seq.s32 s17, $0xF;
	s14 =	smax.u32 s8, $0x1;
	s9 =	sadd.s32 s7, s9  }
0x15: {  	s30 =	sshrl.u32 s5, $0x1;
	s16 =	sshrl.u32 @p0 s16, $0x3;
	s18 =	sshrl.u32 @!p0 s18, $0x3  }
0x16: {  	s28 =	sadd.s32 s6, s11;
	[dreg:$0x7] =	wrdreg s9;
	s6 =	sadd.s32 s6, s13  }
0x17: {  	s13 =	sadd.s32 $0x24900, s0;
	s0 =	sshll.u32 @!p0 s17, $0x6;
	[dreg:$0x6] =	wrdreg s28  }
0x18: {  	s15 =	sadd.s32 $0xFFFFFFFF, s30;
	[dreg:$0x8] =	wrdreg s6;
	s17 =	sor.u32 @!p0 $0x1C03, s0  }
.LBB2_1:
0x19: {  	s29 =	simm.s32 @p0 $0x1FC3;
	s0 =	rddreg [dreg:$0x5];
	s28 =	simm.s32 @p0 $0x3  }
0x1a: {  	[spmem:s16], [sflag:s29] =	dma.local @p0 [hbm:s0], $0x2800  }
0x1b: {  	_ =	swait.ge @p0 [sflag:s28], $0x2800  }
0x1c: {  	[sflag:s28] =	ssyncset.done @p0 $0x0  }
0x1d: {  	s26 =	simm.s32 @!p0 $0x3;
	s0 =	rddreg [dreg:$0x4];
	[sflag:s28] =	ssyncadd.s32 @p0 $0xFFFFD800  }
0x1e: {  	[spmem:s18], [sflag:s17] =	dma.local @!p0 [hbm:s0], $0x2700  }
0x1f: {  	_ =	swait.ge @!p0 [sflag:s26], $0x2700  }
0x20: {  	[sflag:s26] =	ssyncset.done @!p0 $0x0  }
0x21: {  	s0 =	simm.s32 @p1 $0x0;
	s2 =	rddreg [dreg:$0x6];
	[sflag:s26] =	ssyncadd.s32 @!p0 $0xFFFFD900  }
0x22: {  	[tilespmem:s0], [sflag:$0x3] =	stream.linear.gather @p1 [hbm4b:s2+s0], $0x2D00, $0x38;
	[tilespmem:$0x1FD80] =	vst v63  }
0x23: {  	s2 =	simm.s32 @p1 $0x3  }
0x24: {  	_ =	swait.ge @p1 [sflag:s2], $0x2D00  }
0x25: {  	[sflag:s2] =	ssyncset.done @p1 $0x0  }
0x26: {  	s3 =	simm.s32 @p1 $0x2D00;
	s6 =	rddreg [dreg:$0x7];
	[sflag:s2] =	ssyncadd.s32 @p1 $0xFFFFD300  }
0x27: {  	[tilespmem:s3], [sflag:$0x3] =	stream.linear.gather @p1 [hbm4b:s6+s0], $0x5000, $0x38;
	[tilespmem:$0x1FD80] =	vst v63  }
0x28: {  	_ =	swait.ge @p1 [sflag:s2], $0x5000  }
0x29: {  	[sflag:s2] =	ssyncset.done @p1 $0x0  }
0x2a: {  	s0 =	simm.s32 @!p1 $0x0;
	[sflag:s2] =	ssyncadd.s32 @p1 $0xFFFFB000;
	s2 =	rddreg [dreg:$0x8]  }
0x2b: {  	[tilespmem:s0], [sflag:$0x3] =	stream.linear.gather @!p1 [hbm4b:s2+s0], $0x21C0, $0x38;
	[tilespmem:$0x1FD80] =	vst v63  }
0x2c: {  	s2 =	simm.s32 @!p1 $0x3  }
0x2d: {  	_ =	swait.ge @!p1 [sflag:s2], $0x21C0  }
0x2e: {  	[sflag:s2] =	ssyncset.done @!p1 $0x0  }
0x2f: {  	s3 =	simm.s32 @!p1 $0x2D00;
	s6 =	rddreg [dreg:$0x9];
	[sflag:s2] =	ssyncadd.s32 @!p1 $0xFFFFDE40  }
0x30: {  	[tilespmem:s3], [sflag:$0x3] =	stream.linear.gather @!p1 [hbm4b:s6+s0], $0x3C00, $0x38;
	[tilespmem:$0x1FD80] =	vst v63  }
0x31: {  	_ =	swait.ge @!p1 [sflag:s2], $0x3C00  }
0x32: {  	[sflag:s2] =	ssyncset.done @!p1 $0x0  }
0x33: {  	[sflag:s2] =	ssyncadd.s32 @!p1 $0xFFFFC400  }
0x34: {  	s10 =	simm.s32 $0x0;
	[bflag:$0x0] =	sbarrier.arrive $0xFFFF  }
0x35: {  	[tilespmem:s20], [sflag:$0x1] =	stream.indirect.gather [hbm4b:s4+s19], $0x80, s10, s19, $0xb8;
	[tilespmem:$0x1FD80] =	vst v63  }
0x36: {  	_ = 	snop  }
0x37: {  	[tilespmem:s21], [sflag:$0x2] =	stream.indirect.gather [hbm4b:s4+s19], $0x80, s19, s19, $0xb8;
	[tilespmem:$0x1FD80] =	vst v63  }
0x38: {  	_ =	swait.ge [sflag:s22], $0x2400  }
0x39: {  	[sflag:s22] =	ssyncset.done $0x0  }
0x3a: {  	s11 =	simm.s32 $0x2D00;
	[sflag:s22] =	ssyncadd.s32 $0xFFFFDC00  }
0x3b: {  	[spmem:s1] =	stream.indirect.scatter.add.f32 [tilespmem:s20], [sflag:$0x3], $0x80, s11, s19, $0xb8;
	[tilespmem:$0x1FD80] =	vst v63  }
0x3c: {  	p2 =	sle.u32 s5, $0x2;
	_ =	swait.ge [sflag:s23], $0x2400  }
0x3d: {  	s0 =	simm.s32 @!p2 $0x90;
	[sflag:s23] =	ssyncset.done $0x0  }
0x3e: {  	s3 =	simm.s32 @!p2 $0x7D00;
	s2 =	simm.s32 @!p2 $0x48;
	[sflag:s23] =	ssyncadd.s32 $0xFFFFDC00  }
0x3f: {  	[tilespmem:s3], [sflag:$0x1] =	stream.indirect.gather @!p2 [hbm4b:s4+s2], $0x80, s0, s2, $0xb8;
	[tilespmem:$0x1FD80] =	vst v63  }
0x40: {  	s30 =	simm.s32 $0xD8;
	s2 =	sadd.s32 $0xFFFFFFFF, s15  }
0x41: {  	p3 =	sle.u32 s5, $0x3;
	_ =	swait.ge [sflag:s24], $0x2400;
	p2 =	sne.s32 s2, $0x0  }
.Ltmp0:
0x42: {  	s31 =	simm.s32 $0x5;
	[sflag:s24] =	ssyncset.done $0x0;
	(pc) =	sbr.rel @!p2 .LBB2_3-.Ltmp0, $4  }
0x43: {  	s7 =	simm.s32 $0xD8;
	s3 =	simm.s32 $0x2D80;
	[sflag:s24] =	ssyncadd.s32 $0xFFFFDC00  }
0x44: {  	[spmem:s1] =	stream.indirect.scatter.add.f32 [tilespmem:s21], [sflag:$0x3], $0x80, s3, s19, $0xb8;
	[tilespmem:$0x1FD80] =	vst v63  }
0x45: {  	s8 =	simm.s32 @!p3 $0x48;
	s9 =	simm.s32 @!p3 $0xA100;
	_ =	swait.ge [sflag:s23], $0x2400  }
0x46: {  	s6 =	simm.s32 $0xD8;
	s0 =	simm.s32 $0x2E80;
	[sflag:s23] =	ssyncset.done $0x0  }
.LBB2_2:
0x47: {  	s6 =	smov.u32 s30;
	s3 =	smov.u32 s0  }
0x48: {  	s2 =	sadd.s32 $0xFFFFFFFF, s2;
	s30 =	sadd.s32 $0x90, s30;
	[sflag:s23] =	ssyncadd.s32 $0xFFFFDC00  }
0x49: {  	[tilespmem:s9], [sflag:$0x2] =	stream.indirect.gather @!p3 [hbm4b:s4+s8], $0x80, s7, s8, $0xb8;
	[tilespmem:$0x1FD80] =	vst v63  }
0x4a: {  	p2 =	sne.s32 s2, $0x0;
	s7 =	smov.u32 s30;
	_ =	swait.ge [sflag:s22], $0x2400  }
0x4b: {  	s8 =	sadd.s32 $0xFFFFFF80, s0;
	s9 =	smov.u32 s0;
	[sflag:s22] =	ssyncset.done $0x0  }
0x4c: {  	s10 =	sadd.s32 $0xFFFFFFFF, s31;
	[sflag:s22] =	ssyncadd.s32 $0xFFFFDC00  }
0x4d: {  	[spmem:s1] =	stream.indirect.scatter.add.f32 [tilespmem:s20], [sflag:$0x3], $0x80, s8, s19, $0xb8;
	[tilespmem:$0x1FD80] =	vst v63  }
0x4e: {  	p3 =	sge.u32 s10, s5;
	_ =	swait.ge [sflag:s23], $0x2400  }
0x4f: {  	s10 =	simm.s32 @!p3 $0x48;
	s8 =	sadd.s32 @!p3 $0xFFFFFFB8, s30;
	[sflag:s23] =	ssyncset.done $0x0  }
0x50: {  	s11 =	simm.s32 @!p3 $0x7D00;
	[sflag:s23] =	ssyncadd.s32 $0xFFFFDC00  }
0x51: {  	[tilespmem:s11], [sflag:$0x1] =	stream.indirect.gather @!p3 [hbm4b:s4+s10], $0x80, s8, s10, $0xb8;
	[tilespmem:$0x1FD80] =	vst v63  }
0x52: {  	_ =	swait.ge [sflag:s24], $0x2400  }
.Ltmp1:
0x53: {  	[sflag:s24] =	ssyncset.done $0x0;
	(pc) =	sbr.rel @p2 .LBB2_2-.Ltmp1, $4  }
0x54: {  	s0 =	sadd.s32 $0x100, s0;
	[sflag:s24] =	ssyncadd.s32 $0xFFFFDC00  }
0x55: {  	[spmem:s1] =	stream.indirect.scatter.add.f32 [tilespmem:s21], [sflag:$0x3], $0x80, s9, s19, $0xb8;
	[tilespmem:$0x1FD80] =	vst v63  }
0x56: {  	p3 =	sge.u32 s31, s5;
	s31 =	sadd.s32 $0x2, s31;
	_ =	swait.ge [sflag:s23], $0x2400  }
0x57: {  	s8 =	simm.s32 @!p3 $0x48;
	s9 =	simm.s32 @!p3 $0xA100;
	[sflag:s23] =	ssyncset.done $0x0  }
.LBB2_3:
0x58: {  	[sflag:s23] =	ssyncadd.s32 $0xFFFFDC00  }
0x59: {  	[tilespmem:s9], [sflag:$0x2] =	stream.indirect.gather @!p3 [hbm4b:s4+s8], $0x80, s7, s8, $0xb8;
	[tilespmem:$0x1FD80] =	vst v63  }
0x5a: {  	_ =	swait.ge [sflag:s22], $0x2400  }
0x5b: {  	[sflag:s22] =	ssyncset.done $0x0  }
0x5c: {  	s2 =	sadd.s32 $0x80, s3;
	s11 =	sadd.s32 $0xFFFFFFFF, s31;
	[sflag:s22] =	ssyncadd.s32 $0xFFFFDC00  }
0x5d: {  	[spmem:s1] =	stream.indirect.scatter.add.f32 [tilespmem:s20], [sflag:$0x3], $0x80, s2, s19, $0xb8;
	[tilespmem:$0x1FD80] =	vst v63  }
0x5e: {  	p2 =	sge.u32 s11, s5;
	_ =	swait.ge [sflag:s23], $0x2400  }
0x5f: {  	s3 =	simm.s32 @!p2 $0x48;
	[sflag:s23] =	ssyncset.done $0x0  }
0x60: {  	s2 =	sadd.s32 @!p2 $0x48, s6;
	s6 =	simm.s32 @!p2 $0x7D00;
	[sflag:s23] =	ssyncadd.s32 $0xFFFFDC00  }
0x61: {  	[tilespmem:s6], [sflag:$0x1] =	stream.indirect.gather @!p2 [hbm4b:s4+s3], $0x80, s2, s3, $0xb8;
	[tilespmem:$0x1FD80] =	vst v63  }
0x62: {  	_ =	swait.ge [sflag:s24], $0x2400  }
0x63: {  	[sflag:s24] =	ssyncset.done $0x0  }
0x64: {  	[sflag:s24] =	ssyncadd.s32 $0xFFFFDC00  }
0x65: {  	[spmem:s1] =	stream.indirect.scatter.add.f32 [tilespmem:s21], [sflag:$0x3], $0x80, s0, s19, $0xb8;
	[tilespmem:$0x1FD80] =	vst v63  }
0x66: {  	p2 =	sge.u32 s31, s5;
	_ =	swait.ge [sflag:s23], $0x2400  }
0x67: {  	s2 =	simm.s32 @!p2 $0x48;
	[sflag:s23] =	ssyncset.done $0x0  }
0x68: {  	s3 =	simm.s32 @!p2 $0xA100;
	s0 =	sadd.s32 $0x90, s30;
	[sflag:s23] =	ssyncadd.s32 $0xFFFFDC00  }
0x69: {  	[tilespmem:s3], [sflag:$0x2] =	stream.indirect.gather @!p2 [hbm4b:s4+s2], $0x80, s0, s2, $0xb8;
	[tilespmem:$0x1FD80] =	vst v63  }
0x6a: {  	[bflag:$0x0] =	sbarrier.arrive $0xFFFF  }
0x6b: {  	[hbm:s13], [sflag:s29] =	dma.local @p0 [spmem:s16], $0x2800  }
0x6c: {  	s25 =	sadd.s32 $0x1, s25;
	_ =	swait.ge @p0 [sflag:s28], $0x2800  }
0x6d: {  	p2 =	sne.s32 s25, s14;
	[sflag:s28] =	ssyncset.done @p0 $0x0  }
.Ltmp2:
0x6e: {  	[sflag:s28] =	ssyncadd.s32 @p0 $0xFFFFD800;
	(pc) =	sbr.rel @p2 .LBB2_1-.Ltmp2, $4  }
0x6f: {  	[hbm:s12], [sflag:s17] =	dma.local @!p0 [spmem:s18], $0x2700  }
0x70: {  	_ =	swait.ge @!p0 [sflag:s26], $0x2700  }
0x71: {  	[sflag:s26] =	ssyncset.done @!p0 $0x0  }
0x72: {  	[sflag:s26] =	ssyncadd.s32 @!p0 $0xFFFFD900  }
0x73: {  	_ =	sfence.sel $0x180000  }
0x74: {  	[bflag:$0x0] =	sbarrier.arrive $0xFFFF  }
0x75: {  	_ =	strace $0x90000047  }
0x76: {  	s0 =	stileid.u32;
	[bflag:$0x2] =	sbarrier.arrive $0xFFFF  }
0x77: {  	p0 =	sne.s32 s0, $0x0;
	s0 =	rddreg [dreg:$0x3]  }
0x78: {  	s0 =	sadd.s32 @!p0 $0x100000, s0  }
0x79: {  	[sflag:s0] =	ssyncadd.tile.s32 @!p0 $0x1;
	_ =	shalt  }
.Lfunc_end2:
_tile_overlayer_lowered:
.L_overlay_start_2:
0x7a: {  	(tag) =	ssettag $0x2  }
0x7b: {  	s0 =	rddreg [dreg:$0x0];
	s2 =	stileid.u32  }
0x7c: {  	s1 =	rddreg [dreg:$0x1];
	p0 =	sne.s32 s2, $0x0  }
0x7d: {  	s3 =	rddreg [dreg:$0x2];
	[bflag:$0x3] =	sbarrier.arrive $0xFFFF;
	s2 =	simm.s32 @!p0 $0x1C03  }
0x7e: {  	[timem:s3], [sflag:s2] =	dma.local @!p0 [hbm:s0], s1  }
0x7f: {  	s0 =	simm.s32 @!p0 $0x3  }
0x80: {  	_ =	swait.ge @!p0 [sflag:s0], s1  }
0x81: {  	s1 =	ssub.s32 @!p0 $0x0, s1;
	[sflag:s0] =	ssyncset.done @!p0 $0x0  }
0x82: {  	[sflag:s0] =	ssyncadd.s32 @!p0 s1  }
0x83: {  	[bflag:$0x3] =	sbarrier.arrive $0xFFFF  }
0x84: {  	_ =	shalt  }

</sc_bundles>
